<compile_context>
chip_gen: v7x
topology: tpu7x:2x2x1
jax: 0.10.2.dev20260603
libtpu: 0.0.44.dev20260713+nightly
codegen_flags: <defaults>
</compile_context>

<pallas_src>
import dataclasses

import jax
import jax.numpy as jnp
from jax import lax
from jax.experimental import pallas as pl
from jax.experimental.pallas import tpu as pltpu
from jax.experimental.pallas import tpu_sc as plsc

D = 256
N_TOK = 16 * 4096
P_PAD = 128
ACC_W = P_PAD * D
NC, NS = 2, 16
NW = NC * NS
CHUNK = N_TOK // NW
TILE = 32
NT = CHUNK // TILE
MAX_SCORE = 2.0
NEG = -1e30
TRASH = (P_PAD - 1) * D


def _sc_body(a_hbm, t_hbm, s_hbm, p_hbm, z_hbm,
             outa_hbm, outt_hbm, outh_hbm,
             acc_a, acc_t, cnt_h, a0, a1, t0, t1, sbuf, pbuf, fbuf,
             sem_a0, sem_a1, sem_t0, sem_t1):
    wid = lax.axis_index("s") * NC + lax.axis_index("c")
    base = wid * CHUNK

    iota16 = lax.iota(jnp.int32, 16)
    zeros16 = jnp.zeros((16,), jnp.float32)
    ones16 = jnp.full((16,), 1.0, jnp.float32)

    pltpu.async_copy(s_hbm.at[pl.ds(base, CHUNK)], sbuf, sem_t0)
    pltpu.async_copy(p_hbm.at[pl.ds(base, CHUNK)], pbuf, sem_t1)
    pltpu.sync_copy(z_hbm, acc_a)
    pltpu.sync_copy(z_hbm, acc_t)
    for k in range(P_PAD // 16):
        cnt_h[pl.ds(16 * k, 16)] = zeros16
    pltpu.make_async_copy(s_hbm.at[pl.ds(base, CHUNK)], sbuf, sem_t0).wait()
    pltpu.make_async_copy(p_hbm.at[pl.ds(base, CHUNK)], pbuf, sem_t1).wait()

    @pl.loop(0, CHUNK // 16)
    def _pre(g):
        pv = pbuf[pl.ds(16 * g, 16)]
        sv = sbuf[pl.ds(16 * g, 16)]
        validm = sv >= 0.0
        fbuf[pl.ds(16 * g, 16)] = jnp.where(validm, pv * D, TRASH)
        highm = jnp.logical_and(validm, sv == MAX_SCORE)
        plsc.store_scatter(cnt_h, [pv], ones16, mask=highm)

    def start(t, abuf, tbuf, sa, st):
        row0 = base + t * TILE
        pltpu.async_copy(a_hbm.at[pl.ds(row0, TILE)], abuf, sa)
        pltpu.async_copy(t_hbm.at[pl.ds(row0, TILE)], tbuf, st)

    def wait(abuf, tbuf, sa, st):
        pltpu.make_async_copy(a_hbm.at[pl.ds(0, TILE)], abuf, sa).wait()
        pltpu.make_async_copy(t_hbm.at[pl.ds(0, TILE)], tbuf, st).wait()

    def accum(t, abuf, tbuf):
        @plsc.parallel_loop(0, TILE, unroll=2)
        def _row_a(r):
            tok = t * TILE + r
            idxv = jnp.full((16,), tok, jnp.int32)
            fb = plsc.load_gather(fbuf, [idxv]) + iota16
            for c in range(D // 16):
                acc_a_v = acc_a.at[pl.ds(16 * c, ACC_W - 16 * c)]
                plsc.addupdate_scatter(acc_a_v, [fb], abuf[r, pl.ds(16 * c, 16)])

        @plsc.parallel_loop(0, TILE, unroll=2)
        def _row_t(r):
            tok = t * TILE + r
            idxv = jnp.full((16,), tok, jnp.int32)
            fb = plsc.load_gather(fbuf, [idxv]) + iota16
            for c in range(D // 16):
                acc_t_v = acc_t.at[pl.ds(16 * c, ACC_W - 16 * c)]
                plsc.addupdate_scatter(acc_t_v, [fb], tbuf[r, pl.ds(16 * c, 16)])

    start(0, a0, t0, sem_a0, sem_t0)

    @pl.loop(0, NT, step=2)
    def _tile(t):
        start(t + 1, a1, t1, sem_a1, sem_t1)
        wait(a0, t0, sem_a0, sem_t0)
        accum(t, a0, t0)

        @pl.when(t + 2 < NT)
        def _():
            start(t + 2, a0, t0, sem_a0, sem_t0)

        wait(a1, t1, sem_a1, sem_t1)
        accum(t + 1, a1, t1)

    pltpu.sync_copy(acc_a, outa_hbm.at[wid])
    pltpu.sync_copy(acc_t, outt_hbm.at[wid])
    pltpu.sync_copy(cnt_h, outh_hbm.at[wid])


def _sc_partials(a2d, t2d, s1d, p1d, zeros):
    mesh = plsc.VectorSubcoreMesh(core_axis_name="c", subcore_axis_name="s")
    cp = pltpu.CompilerParams()
    if "needs_layout_passes" in pltpu.CompilerParams.__dataclass_fields__:
        cp = dataclasses.replace(cp, needs_layout_passes=False)
    f = pl.kernel(
        _sc_body,
        mesh=mesh,
        compiler_params=cp,
        out_type=[
            jax.ShapeDtypeStruct((NW, ACC_W), jnp.float32),
            jax.ShapeDtypeStruct((NW, ACC_W), jnp.float32),
            jax.ShapeDtypeStruct((NW, P_PAD), jnp.float32),
        ],
        scratch_types=[
            pltpu.VMEM((ACC_W,), jnp.float32),
            pltpu.VMEM((ACC_W,), jnp.float32),
            pltpu.VMEM((P_PAD,), jnp.float32),
            pltpu.VMEM((TILE, D), jnp.float32),
            pltpu.VMEM((TILE, D), jnp.float32),
            pltpu.VMEM((TILE, D), jnp.float32),
            pltpu.VMEM((TILE, D), jnp.float32),
            pltpu.VMEM((CHUNK,), jnp.float32),
            pltpu.VMEM((CHUNK,), jnp.int32),
            pltpu.VMEM((CHUNK,), jnp.int32),
            pltpu.SemaphoreType.DMA,
            pltpu.SemaphoreType.DMA,
            pltpu.SemaphoreType.DMA,
            pltpu.SemaphoreType.DMA,
        ],
    )
    return f(a2d, t2d, s1d, p1d, zeros)


def _tc_body(pa_ref, pt_ref, ch_ref, out_ref):
    sum_a = jnp.sum(pa_ref[...], axis=0)
    sum_t = jnp.sum(pt_ref[...], axis=0)
    cnt_h = jnp.sum(ch_ref[...], axis=0, keepdims=False)
    act_f = (cnt_h > 0.0).astype(jnp.float32).reshape(1, P_PAD)
    n_u = jnp.sum(act_f, keepdims=True)

    def norm(x):
        n = jnp.sqrt(jnp.sum(x * x, axis=1, keepdims=True))
        return x / jnp.maximum(n, 1e-12)

    c_a = norm(sum_a)
    c_t = norm(sum_t)
    dn = (((1,), (1,)), ((), ()))
    cos_at = lax.dot_general(c_a, c_t, dn, preferred_element_type=jnp.float32)
    cos_ta = lax.dot_general(c_t, c_a, dn, preferred_element_type=jnp.float32)
    eye = (lax.broadcasted_iota(jnp.int32, (P_PAD, P_PAD), 0)
           == lax.broadcasted_iota(jnp.int32, (P_PAD, P_PAD), 1))
    diag_act = jnp.logical_and(eye, act_f > 0.0)

    def side(cos):
        m = jnp.where(act_f > 0.0, cos, NEG)
        mx = jnp.max(m, axis=1, keepdims=True)
        lse = jnp.log(jnp.sum(jnp.exp(m - mx), axis=1, keepdims=True)) + mx
        dsum = jnp.sum(jnp.where(diag_act, m - lse, 0.0), keepdims=True)
        return -dsum / jnp.maximum(n_u, 1.0)

    loss = 0.5 * side(cos_at) + 0.5 * side(cos_ta)
    out_ref[...] = jnp.where(n_u >= 2.0, loss, jnp.zeros((1, 1), jnp.float32))


def _tc_finish(parts_a, parts_t, cnts_h):
    return pl.pallas_call(
        _tc_body,
        out_shape=jax.ShapeDtypeStruct((1, 1), jnp.float32),
    )(parts_a, parts_t, cnts_h)


def kernel(audio_features, text_features, scores, phn_ids):
    a2d = audio_features.reshape(-1, D)
    t2d = text_features.reshape(-1, D)
    s1d = scores.reshape(-1).astype(jnp.float32)
    p1d = phn_ids.reshape(-1).astype(jnp.int32)
    zeros = jnp.zeros((ACC_W,), jnp.float32)
    parts_a, parts_t, cnts_h = _sc_partials(a2d, t2d, s1d, p1d, zeros)
    loss = _tc_finish(parts_a.reshape(NW, P_PAD, D),
                      parts_t.reshape(NW, P_PAD, D), cnts_h)
    return loss.reshape(())

# --- scband reference (transcript-rebuilt; emitter-appended) ---
"""Pipeline reference for scband-clapcontrastive-loss-11991548690434 (READ-ONLY COPY).

The authoritative reference and input builder live on the scoring server;
editing this copy changes nothing except your own understanding.
"""

import jax, jax.numpy as jnp
import numpy as np

B, T, D = 16, 4096, 256
NUM_PHN = 100
MAX_PHONE_SCORE = 2.0
LAMBDA = 0.5


def setup_inputs(seed: int = 0) -> dict:
    key = jax.random.key(seed)
    k1, k2, k3, k4 = jax.random.split(key, 4)
    audio_features = jax.random.normal(k1, (B, T, D), dtype=jnp.float32)
    text_features = jax.random.normal(k2, (B, T, D), dtype=jnp.float32)
    # scores in {0.0, 1.0, 2.0}: all tokens valid (>=0), ~1/3 hit MAX_PHONE_SCORE
    scores = jax.random.randint(k3, (B, T), 0, 3).astype(jnp.float32)
    phn_ids = jax.random.randint(k4, (B, T), 0, NUM_PHN)
    return {"audio_features": audio_features, "text_features": text_features, "scores": scores, "phn_ids": phn_ids}


def _normalize(x):
    n = jnp.linalg.norm(x, axis=1, keepdims=True)
    return x / jnp.maximum(n, 1e-12)


def reference(audio_features, text_features, scores, phn_ids):
    d = audio_features.shape[-1]
    flat_scores = scores.reshape(-1)
    flat_phn = phn_ids.reshape(-1)
    mask_valid = flat_scores >= 0
    mask_high = mask_valid & (flat_scores == MAX_PHONE_SCORE)
    high_count = jnp.zeros((NUM_PHN,), dtype=jnp.int32).at[flat_phn].add(mask_high.astype(jnp.int32))
    keep = mask_valid & (high_count[flat_phn] > 0)
    keep_f = keep.astype(jnp.float32)
    u_counts = jnp.zeros((NUM_PHN,), dtype=jnp.float32).at[flat_phn].add(keep_f)
    active = u_counts > 0
    n_u = jnp.sum(active.astype(jnp.float32))
    audio_feats = audio_features.reshape(-1, d) * keep_f[:, None]
    text_feats = text_features.reshape(-1, d) * keep_f[:, None]
    safe_counts = jnp.maximum(u_counts, 1.0)
    center_audio = jnp.zeros((NUM_PHN, d), dtype=jnp.float32).at[flat_phn].add(audio_feats)
    center_audio = center_audio / safe_counts[:, None]
    center_audio = _normalize(center_audio)
    center_text = jnp.zeros((NUM_PHN, d), dtype=jnp.float32).at[flat_phn].add(text_feats)
    center_text = center_text / safe_counts[:, None]
    center_text = _normalize(center_text)
    cos_matrix = center_audio @ center_text.T
    masked_a2t = jnp.where(active[None, :], cos_matrix, -jnp.inf)
    log_probs_a2t = jax.nn.log_softmax(masked_a2t, axis=1)
    diag_a2t = jnp.where(active, jnp.diagonal(log_probs_a2t), 0.0)
    loss_a2t = -jnp.sum(diag_a2t) / jnp.maximum(n_u, 1.0)
    masked_t2a = jnp.where(active[None, :], cos_matrix.T, -jnp.inf)
    log_probs_t2a = jax.nn.log_softmax(masked_t2a, axis=1)
    diag_t2a = jnp.where(active, jnp.diagonal(log_probs_t2a), 0.0)
    loss_t2a = -jnp.sum(diag_t2a) / jnp.maximum(n_u, 1.0)
    loss = LAMBDA * loss_a2t + (1.0 - LAMBDA) * loss_t2a
    return jnp.where(n_u >= 2.0, loss, jnp.array(0.0, dtype=jnp.float32)).astype(jnp.float32)

if __name__ == "__main__":
    import jax
    _d = setup_inputs()
    print(jax.jit(kernel)(*tuple(_d.values())))

</pallas_src>

<mosaic_0001>
#map = affine_map<(d0, d1) -> (0, 0)>
#map1 = affine_map<(d0, d1) -> (0)>
module attributes {stable_mosaic.version = 14 : i64} {
  func.func @_sc_body(%arg0: i32, %arg1: i32, %arg2: memref<65536x256xf32, #tpu.memory_space<hbm>>, %arg3: memref<65536x256xf32, #tpu.memory_space<hbm>>, %arg4: memref<65536xf32, #tpu.memory_space<hbm>>, %arg5: memref<65536xi32, #tpu.memory_space<hbm>>, %arg6: memref<32768xf32, #tpu.memory_space<hbm>>, %arg7: memref<32x32768xf32, #tpu.memory_space<hbm>>, %arg8: memref<32x32768xf32, #tpu.memory_space<hbm>>, %arg9: memref<32x128xf32, #tpu.memory_space<hbm>>, %arg10: memref<32768xf32, #tpu.memory_space<vmem>>, %arg11: memref<32768xf32, #tpu.memory_space<vmem>>, %arg12: memref<128xf32, #tpu.memory_space<vmem>>, %arg13: memref<32x256xf32, #tpu.memory_space<vmem>>, %arg14: memref<32x256xf32, #tpu.memory_space<vmem>>, %arg15: memref<32x256xf32, #tpu.memory_space<vmem>>, %arg16: memref<32x256xf32, #tpu.memory_space<vmem>>, %arg17: memref<2048xf32, #tpu.memory_space<vmem>>, %arg18: memref<2048xi32, #tpu.memory_space<vmem>>, %arg19: memref<2048xi32, #tpu.memory_space<vmem>>, %arg20: memref<!tpu.dma_semaphore, #tpu.memory_space<semaphore_mem>>, %arg21: memref<!tpu.dma_semaphore, #tpu.memory_space<semaphore_mem>>, %arg22: memref<!tpu.dma_semaphore, #tpu.memory_space<semaphore_mem>>, %arg23: memref<!tpu.dma_semaphore, #tpu.memory_space<semaphore_mem>>) attributes {dimension_semantics = [#tpu.dimension_semantics<core_parallel>, #tpu.dimension_semantics<subcore_parallel>], iteration_bounds = array<i64: 2, 16>, scalar_prefetch = 0 : i64, scratch_operands = 14 : i64, tpu.core_type = #tpu.core_type<sc_vector_subcore>, window_params = [{transform_indices = #map}, {transform_indices = #map}, {transform_indices = #map1}, {transform_indices = #map1}, {transform_indices = #map1}, {transform_indices = #map}, {transform_indices = #map}, {transform_indices = #map}]} {
    %mul3A = arith.constant 2 : i32
    %mul3A_0 = arith.muli %arg1, %mul3A : i32
    %add3A = arith.addi %mul3A_0, %arg0 : i32
    %mul3A_1 = arith.constant 2048 : i32
    %mul3A_2 = arith.muli %add3A, %mul3A_1 : i32
    %iota3A = tpu.iota {dimensions = array<i32: 0>} : vector<16xi32>
    %broadcast_in_dim3A = arith.constant 0.000000e+00 : f32
    %broadcast_in_dim3A_3 = vector.broadcast %broadcast_in_dim3A : f32 to vector<16xf32>
    %broadcast_in_dim3A_4 = arith.constant 1.000000e+00 : f32
    %broadcast_in_dim3A_5 = vector.broadcast %broadcast_in_dim3A_4 : f32 to vector<16xf32>
    %dma_start3A = tpu.memref_slice %arg4[%mul3A_2] : memref<65536xf32, #tpu.memory_space<hbm>> -> memref<2048xf32, #tpu.memory_space<hbm>>
    %dma_start3A_6 = tpu.memref_slice %arg4[%mul3A_2] : memref<65536xf32, #tpu.memory_space<hbm>> -> memref<2048xf32, #tpu.memory_space<hbm>>
    tpu.enqueue_dma source(%dma_start3A_6 : memref<2048xf32, #tpu.memory_space<hbm>>) target(%arg17 : memref<2048xf32, #tpu.memory_space<vmem>>) target_semaphore(%arg22 : memref<!tpu.dma_semaphore, #tpu.memory_space<semaphore_mem>>)
    %dma_start3A_7 = tpu.memref_slice %arg5[%mul3A_2] : memref<65536xi32, #tpu.memory_space<hbm>> -> memref<2048xi32, #tpu.memory_space<hbm>>
    %dma_start3A_8 = tpu.memref_slice %arg5[%mul3A_2] : memref<65536xi32, #tpu.memory_space<hbm>> -> memref<2048xi32, #tpu.memory_space<hbm>>
    tpu.enqueue_dma source(%dma_start3A_8 : memref<2048xi32, #tpu.memory_space<hbm>>) target(%arg18 : memref<2048xi32, #tpu.memory_space<vmem>>) target_semaphore(%arg23 : memref<!tpu.dma_semaphore, #tpu.memory_space<semaphore_mem>>)
    "tpu.region"() ({
      %run_scoped3A = tpu.sem_alloc : memref<!tpu.dma_semaphore, #tpu.memory_space<semaphore_mem>>
      tpu.enqueue_dma source(%arg6 : memref<32768xf32, #tpu.memory_space<hbm>>) target(%arg10 : memref<32768xf32, #tpu.memory_space<vmem>>) target_semaphore(%run_scoped3A : memref<!tpu.dma_semaphore, #tpu.memory_space<semaphore_mem>>)
      tpu.wait_dma2 semaphore(%run_scoped3A : memref<!tpu.dma_semaphore, #tpu.memory_space<semaphore_mem>>) src(%arg6 : memref<32768xf32, #tpu.memory_space<hbm>>) dst(%arg10 : memref<32768xf32, #tpu.memory_space<vmem>>)
      tpu.yield
    }) : () -> ()
    "tpu.region"() ({
      %run_scoped3A = tpu.sem_alloc : memref<!tpu.dma_semaphore, #tpu.memory_space<semaphore_mem>>
      tpu.enqueue_dma source(%arg6 : memref<32768xf32, #tpu.memory_space<hbm>>) target(%arg11 : memref<32768xf32, #tpu.memory_space<vmem>>) target_semaphore(%run_scoped3A : memref<!tpu.dma_semaphore, #tpu.memory_space<semaphore_mem>>)
      tpu.wait_dma2 semaphore(%run_scoped3A : memref<!tpu.dma_semaphore, #tpu.memory_space<semaphore_mem>>) src(%arg6 : memref<32768xf32, #tpu.memory_space<hbm>>) dst(%arg11 : memref<32768xf32, #tpu.memory_space<vmem>>)
      tpu.yield
    }) : () -> ()
    %swap3A = arith.constant 0 : index
    %swap3A_9 = tpu.vector_load %arg12[%swap3A] {strides = array<i32>} : memref<128xf32, #tpu.memory_space<vmem>>, vector<16xf32>,
    tpu.vector_store %arg12[%swap3A], %broadcast_in_dim3A_3 {strides = array<i32>} : memref<128xf32, #tpu.memory_space<vmem>>, vector<16xf32>,
    %swap3A_10 = arith.constant 16 : index
    %swap3A_11 = tpu.vector_load %arg12[%swap3A_10] {strides = array<i32>} : memref<128xf32, #tpu.memory_space<vmem>>, vector<16xf32>,
    tpu.vector_store %arg12[%swap3A_10], %broadcast_in_dim3A_3 {strides = array<i32>} : memref<128xf32, #tpu.memory_space<vmem>>, vector<16xf32>,
    %swap3A_12 = arith.constant 32 : index
    %swap3A_13 = tpu.vector_load %arg12[%swap3A_12] {strides = array<i32>} : memref<128xf32, #tpu.memory_space<vmem>>, vector<16xf32>,
    tpu.vector_store %arg12[%swap3A_12], %broadcast_in_dim3A_3 {strides = array<i32>} : memref<128xf32, #tpu.memory_space<vmem>>, vector<16xf32>,
    %swap3A_14 = arith.constant 48 : index
    %swap3A_15 = tpu.vector_load %arg12[%swap3A_14] {strides = array<i32>} : memref<128xf32, #tpu.memory_space<vmem>>, vector<16xf32>,
    tpu.vector_store %arg12[%swap3A_14], %broadcast_in_dim3A_3 {strides = array<i32>} : memref<128xf32, #tpu.memory_space<vmem>>, vector<16xf32>,
    %swap3A_16 = arith.constant 64 : index
    %swap3A_17 = tpu.vector_load %arg12[%swap3A_16] {strides = array<i32>} : memref<128xf32, #tpu.memory_space<vmem>>, vector<16xf32>,
    tpu.vector_store %arg12[%swap3A_16], %broadcast_in_dim3A_3 {strides = array<i32>} : memref<128xf32, #tpu.memory_space<vmem>>, vector<16xf32>,
    %swap3A_18 = arith.constant 80 : index
    %swap3A_19 = tpu.vector_load %arg12[%swap3A_18] {strides = array<i32>} : memref<128xf32, #tpu.memory_space<vmem>>, vector<16xf32>,
    tpu.vector_store %arg12[%swap3A_18], %broadcast_in_dim3A_3 {strides = array<i32>} : memref<128xf32, #tpu.memory_space<vmem>>, vector<16xf32>,
    %swap3A_20 = arith.constant 96 : index
    %swap3A_21 = tpu.vector_load %arg12[%swap3A_20] {strides = array<i32>} : memref<128xf32, #tpu.memory_space<vmem>>, vector<16xf32>,
    tpu.vector_store %arg12[%swap3A_20], %broadcast_in_dim3A_3 {strides = array<i32>} : memref<128xf32, #tpu.memory_space<vmem>>, vector<16xf32>,
    %swap3A_22 = arith.constant 112 : index
    %swap3A_23 = tpu.vector_load %arg12[%swap3A_22] {strides = array<i32>} : memref<128xf32, #tpu.memory_space<vmem>>, vector<16xf32>,
    tpu.vector_store %arg12[%swap3A_22], %broadcast_in_dim3A_3 {strides = array<i32>} : memref<128xf32, #tpu.memory_space<vmem>>, vector<16xf32>,
    %dma_wait3A = tpu.memref_slice %arg4[%mul3A_2] : memref<65536xf32, #tpu.memory_space<hbm>> -> memref<2048xf32, #tpu.memory_space<hbm>>
    %dma_wait3A_24 = tpu.memref_slice %arg4[%mul3A_2] : memref<65536xf32, #tpu.memory_space<hbm>> -> memref<2048xf32, #tpu.memory_space<hbm>>
    tpu.wait_dma2 semaphore(%arg22 : memref<!tpu.dma_semaphore, #tpu.memory_space<semaphore_mem>>) src(%dma_wait3A_24 : memref<2048xf32, #tpu.memory_space<hbm>>) dst(%arg17 : memref<2048xf32, #tpu.memory_space<vmem>>)
    %dma_wait3A_25 = tpu.memref_slice %arg5[%mul3A_2] : memref<65536xi32, #tpu.memory_space<hbm>> -> memref<2048xi32, #tpu.memory_space<hbm>>
    %dma_wait3A_26 = tpu.memref_slice %arg5[%mul3A_2] : memref<65536xi32, #tpu.memory_space<hbm>> -> memref<2048xi32, #tpu.memory_space<hbm>>
    tpu.wait_dma2 semaphore(%arg23 : memref<!tpu.dma_semaphore, #tpu.memory_space<semaphore_mem>>) src(%dma_wait3A_26 : memref<2048xi32, #tpu.memory_space<hbm>>) dst(%arg18 : memref<2048xi32, #tpu.memory_space<vmem>>)
    %scan3A = arith.constant 0 : i32
    %scan3A_27 = arith.constant 128 : i32
    %scan3A_28 = arith.addi %scan3A, %scan3A_27 : i32
    %scan3A_29 = arith.constant 1 : i32
    scf.for %scan3A_46 = %scan3A to %scan3A_28 step %scan3A_29  : i32 {
      %mul3A_47 = arith.constant 1 : i32
      %mul3A_48 = arith.muli %scan3A_46, %mul3A_47 : i32
      %add3A_49 = arith.constant 0 : i32
      %add3A_50 = arith.addi %add3A_49, %mul3A_48 : i32
      %mul3A_51 = arith.constant 16 : i32
      %mul3A_52 = arith.muli %mul3A_51, %add3A_50 : i32
      %get3A = arith.index_cast %mul3A_52 : i32 to index
      %get3A_53 = tpu.vector_load %arg18[%get3A] {strides = array<i32>} : memref<2048xi32, #tpu.memory_space<vmem>>, vector<16xi32>,
      %mul3A_54 = arith.constant 16 : i32
      %mul3A_55 = arith.muli %mul3A_54, %add3A_50 : i32
      %get3A_56 = arith.index_cast %mul3A_55 : i32 to index
      %get3A_57 = tpu.vector_load %arg17[%get3A_56] {strides = array<i32>} : memref<2048xf32, #tpu.memory_space<vmem>>, vector<16xf32>,
      %ge3A = arith.constant 0.000000e+00 : f32
      %ge3A_58 = vector.broadcast %ge3A : f32 to vector<16xf32>
      %ge3A_59 = arith.cmpf oge, %get3A_57, %ge3A_58 : vector<16xf32>
      %mul3A_60 = arith.constant 256 : i32
      %mul3A_61 = vector.broadcast %mul3A_60 : i32 to vector<16xi32>
      %mul3A_62 = arith.muli %get3A_53, %mul3A_61 : vector<16xi32>
      %jit3A = arith.constant 32512 : i32
      %broadcast_in_dim3A_63 = vector.broadcast %jit3A : i32 to vector<16xi32>
      %select_n3A = arith.select %ge3A_59, %mul3A_62, %broadcast_in_dim3A_63 : vector<16xi1>, vector<16xi32>
      %mul3A_64 = arith.constant 16 : i32
      %mul3A_65 = arith.muli %mul3A_64, %add3A_50 : i32
      %swap3A_66 = arith.index_cast %mul3A_65 : i32 to index
      %swap3A_67 = tpu.vector_load %arg19[%swap3A_66] {strides = array<i32>} : memref<2048xi32, #tpu.memory_space<vmem>>, vector<16xi32>,
      tpu.vector_store %arg19[%swap3A_66], %select_n3A {strides = array<i32>} : memref<2048xi32, #tpu.memory_space<vmem>>, vector<16xi32>,
      %eq3A = arith.constant 2.000000e+00 : f32
      %eq3A_68 = vector.broadcast %eq3A : f32 to vector<16xf32>
      %eq3A_69 = arith.cmpf oeq, %get3A_57, %eq3A_68 : vector<16xf32>
      %and3A = arith.andi %ge3A_59, %eq3A_69 : vector<16xi1>
      tpu.vector_store_idx %arg12[%get3A_53], %broadcast_in_dim3A_5 masked %and3A : memref<128xf32, #tpu.memory_space<vmem>>[vector<16xi32>], vector<16xf32>, vector<16xi1>
    }
    %scan3A_30 = arith.constant 128 : i32
    %add3A_31 = arith.constant 0 : i32
    %add3A_32 = arith.addi %mul3A_2, %add3A_31 : i32
    %dma_start3A_33 = arith.constant 0 : i32
    %dma_start3A_34 = tpu.memref_slice %arg2[%add3A_32, %dma_start3A_33] : memref<65536x256xf32, #tpu.memory_space<hbm>> -> memref<32x256xf32, #tpu.memory_space<hbm>>
    %dma_start3A_35 = arith.constant 0 : i32
    %dma_start3A_36 = tpu.memref_slice %arg2[%add3A_32, %dma_start3A_35] : memref<65536x256xf32, #tpu.memory_space<hbm>> -> memref<32x256xf32, #tpu.memory_space<hbm>>
    tpu.enqueue_dma source(%dma_start3A_36 : memref<32x256xf32, #tpu.memory_space<hbm>>) target(%arg13 : memref<32x256xf32, #tpu.memory_space<vmem>>) target_semaphore(%arg20 : memref<!tpu.dma_semaphore, #tpu.memory_space<semaphore_mem>>)
    %dma_start3A_37 = arith.constant 0 : i32
    %dma_start3A_38 = tpu.memref_slice %arg3[%add3A_32, %dma_start3A_37] : memref<65536x256xf32, #tpu.memory_space<hbm>> -> memref<32x256xf32, #tpu.memory_space<hbm>>
    %dma_start3A_39 = arith.constant 0 : i32
    %dma_start3A_40 = tpu.memref_slice %arg3[%add3A_32, %dma_start3A_39] : memref<65536x256xf32, #tpu.memory_space<hbm>> -> memref<32x256xf32, #tpu.memory_space<hbm>>
    tpu.enqueue_dma source(%dma_start3A_40 : memref<32x256xf32, #tpu.memory_space<hbm>>) target(%arg15 : memref<32x256xf32, #tpu.memory_space<vmem>>) target_semaphore(%arg22 : memref<!tpu.dma_semaphore, #tpu.memory_space<semaphore_mem>>)
    %scan3A_41 = arith.constant 0 : i32
    %scan3A_42 = arith.constant 32 : i32
    %scan3A_43 = arith.addi %scan3A_41, %scan3A_42 : i32
    %scan3A_44 = arith.constant 1 : i32
    scf.for %scan3A_46 = %scan3A_41 to %scan3A_43 step %scan3A_44  : i32 {
      %mul3A_47 = arith.constant 2 : i32
      %mul3A_48 = arith.muli %scan3A_46, %mul3A_47 : i32
      %add3A_49 = arith.constant 0 : i32
      %add3A_50 = arith.addi %add3A_49, %mul3A_48 : i32
      %add3A_51 = arith.constant 1 : i32
      %add3A_52 = arith.addi %add3A_50, %add3A_51 : i32
      %mul3A_53 = arith.constant 32 : i32
      %mul3A_54 = arith.muli %add3A_52, %mul3A_53 : i32
      %add3A_55 = arith.addi %mul3A_2, %mul3A_54 : i32
      %dma_start3A_56 = arith.constant 0 : i32
      %dma_start3A_57 = tpu.memref_slice %arg2[%add3A_55, %dma_start3A_56] : memref<65536x256xf32, #tpu.memory_space<hbm>> -> memref<32x256xf32, #tpu.memory_space<hbm>>
      %dma_start3A_58 = arith.constant 0 : i32
      %dma_start3A_59 = tpu.memref_slice %arg2[%add3A_55, %dma_start3A_58] : memref<65536x256xf32, #tpu.memory_space<hbm>> -> memref<32x256xf32, #tpu.memory_space<hbm>>
      tpu.enqueue_dma source(%dma_start3A_59 : memref<32x256xf32, #tpu.memory_space<hbm>>) target(%arg14 : memref<32x256xf32, #tpu.memory_space<vmem>>) target_semaphore(%arg21 : memref<!tpu.dma_semaphore, #tpu.memory_space<semaphore_mem>>)
      %dma_start3A_60 = arith.constant 0 : i32
      %dma_start3A_61 = tpu.memref_slice %arg3[%add3A_55, %dma_start3A_60] : memref<65536x256xf32, #tpu.memory_space<hbm>> -> memref<32x256xf32, #tpu.memory_space<hbm>>
      %dma_start3A_62 = arith.constant 0 : i32
      %dma_start3A_63 = tpu.memref_slice %arg3[%add3A_55, %dma_start3A_62] : memref<65536x256xf32, #tpu.memory_space<hbm>> -> memref<32x256xf32, #tpu.memory_space<hbm>>
      tpu.enqueue_dma source(%dma_start3A_63 : memref<32x256xf32, #tpu.memory_space<hbm>>) target(%arg16 : memref<32x256xf32, #tpu.memory_space<vmem>>) target_semaphore(%arg23 : memref<!tpu.dma_semaphore, #tpu.memory_space<semaphore_mem>>)
      %dma_wait3A_64 = arith.constant 0 : i32
      %dma_wait3A_65 = arith.constant 0 : i32
      %dma_wait3A_66 = tpu.memref_slice %arg2[%dma_wait3A_64, %dma_wait3A_65] : memref<65536x256xf32, #tpu.memory_space<hbm>> -> memref<32x256xf32, #tpu.memory_space<hbm>>
      %dma_wait3A_67 = arith.constant 0 : i32
      %dma_wait3A_68 = arith.constant 0 : i32
      %dma_wait3A_69 = tpu.memref_slice %arg2[%dma_wait3A_67, %dma_wait3A_68] : memref<65536x256xf32, #tpu.memory_space<hbm>> -> memref<32x256xf32, #tpu.memory_space<hbm>>
      tpu.wait_dma2 semaphore(%arg20 : memref<!tpu.dma_semaphore, #tpu.memory_space<semaphore_mem>>) src(%dma_wait3A_69 : memref<32x256xf32, #tpu.memory_space<hbm>>) dst(%arg13 : memref<32x256xf32, #tpu.memory_space<vmem>>)
      %dma_wait3A_70 = arith.constant 0 : i32
      %dma_wait3A_71 = arith.constant 0 : i32
      %dma_wait3A_72 = tpu.memref_slice %arg3[%dma_wait3A_70, %dma_wait3A_71] : memref<65536x256xf32, #tpu.memory_space<hbm>> -> memref<32x256xf32, #tpu.memory_space<hbm>>
      %dma_wait3A_73 = arith.constant 0 : i32
      %dma_wait3A_74 = arith.constant 0 : i32
      %dma_wait3A_75 = tpu.memref_slice %arg3[%dma_wait3A_73, %dma_wait3A_74] : memref<65536x256xf32, #tpu.memory_space<hbm>> -> memref<32x256xf32, #tpu.memory_space<hbm>>
      tpu.wait_dma2 semaphore(%arg22 : memref<!tpu.dma_semaphore, #tpu.memory_space<semaphore_mem>>) src(%dma_wait3A_75 : memref<32x256xf32, #tpu.memory_space<hbm>>) dst(%arg15 : memref<32x256xf32, #tpu.memory_space<vmem>>)
      %parallel_loop3A = arith.constant 0 : i32
      %parallel_loop3A_76 = arith.constant 32 : i32
      %parallel_loop3A_77 = arith.constant 1 : i32
      scf.for %parallel_loop3A_105 = %parallel_loop3A to %parallel_loop3A_76 step %parallel_loop3A_77  : i32 {
        %parallel_loop3A_106 = arith.constant 32 : i32
        %parallel_loop3A_107 = arith.muli %add3A_50, %parallel_loop3A_106 : i32
        %parallel_loop3A_108 = arith.addi %parallel_loop3A_107, %parallel_loop3A_105 : i32
        %parallel_loop3A_109 = vector.broadcast %parallel_loop3A_108 : i32 to vector<16xi32>
        %parallel_loop3A_110 = tpu.vector_load_idx %arg19[%parallel_loop3A_109] : memref<2048xi32, #tpu.memory_space<vmem>>[vector<16xi32>], vector<16xi32>,
        %parallel_loop3A_111 = arith.addi %parallel_loop3A_110, %iota3A : vector<16xi32>
        %parallel_loop3A_112 = arith.index_cast %parallel_loop3A_105 : i32 to index
        %parallel_loop3A_113 = arith.constant 0 : index
        %parallel_loop3A_114 = tpu.vector_load %arg13[%parallel_loop3A_112, %parallel_loop3A_113] {strides = array<i32>} : memref<32x256xf32, #tpu.memory_space<vmem>>, vector<16xf32>,
        %parallel_loop3A_115 = arith.constant 0 : i32
        %parallel_loop3A_116 = tpu.memref_slice %arg10[%parallel_loop3A_115] : memref<32768xf32, #tpu.memory_space<vmem>> -> memref<32768xf32, #tpu.memory_space<vmem>>
        tpu.vector_store_idx %parallel_loop3A_116[%parallel_loop3A_111], %parallel_loop3A_114 {add = true} : memref<32768xf32, #tpu.memory_space<vmem>>[vector<16xi32>], vector<16xf32>,
        %parallel_loop3A_117 = arith.index_cast %parallel_loop3A_105 : i32 to index
        %parallel_loop3A_118 = arith.constant 16 : index
        %parallel_loop3A_119 = tpu.vector_load %arg13[%parallel_loop3A_117, %parallel_loop3A_118] {strides = array<i32>} : memref<32x256xf32, #tpu.memory_space<vmem>>, vector<16xf32>,
        %parallel_loop3A_120 = arith.constant 16 : i32
        %parallel_loop3A_121 = tpu.memref_slice %arg10[%parallel_loop3A_120] : memref<32768xf32, #tpu.memory_space<vmem>> -> memref<32752xf32, #tpu.memory_space<vmem>>
        tpu.vector_store_idx %parallel_loop3A_121[%parallel_loop3A_111], %parallel_loop3A_119 {add = true} : memref<32752xf32, #tpu.memory_space<vmem>>[vector<16xi32>], vector<16xf32>,
        %parallel_loop3A_122 = arith.index_cast %parallel_loop3A_105 : i32 to index
        %parallel_loop3A_123 = arith.constant 32 : index
        %parallel_loop3A_124 = tpu.vector_load %arg13[%parallel_loop3A_122, %parallel_loop3A_123] {strides = array<i32>} : memref<32x256xf32, #tpu.memory_space<vmem>>, vector<16xf32>,
        %parallel_loop3A_125 = arith.constant 32 : i32
        %parallel_loop3A_126 = tpu.memref_slice %arg10[%parallel_loop3A_125] : memref<32768xf32, #tpu.memory_space<vmem>> -> memref<32736xf32, #tpu.memory_space<vmem>>
        tpu.vector_store_idx %parallel_loop3A_126[%parallel_loop3A_111], %parallel_loop3A_124 {add = true} : memref<32736xf32, #tpu.memory_space<vmem>>[vector<16xi32>], vector<16xf32>,
        %parallel_loop3A_127 = arith.index_cast %parallel_loop3A_105 : i32 to index
        %parallel_loop3A_128 = arith.constant 48 : index
        %parallel_loop3A_129 = tpu.vector_load %arg13[%parallel_loop3A_127, %parallel_loop3A_128] {strides = array<i32>} : memref<32x256xf32, #tpu.memory_space<vmem>>, vector<16xf32>,
        %parallel_loop3A_130 = arith.constant 48 : i32
        %parallel_loop3A_131 = tpu.memref_slice %arg10[%parallel_loop3A_130] : memref<32768xf32, #tpu.memory_space<vmem>> -> memref<32720xf32, #tpu.memory_space<vmem>>
        tpu.vector_store_idx %parallel_loop3A_131[%parallel_loop3A_111], %parallel_loop3A_129 {add = true} : memref<32720xf32, #tpu.memory_space<vmem>>[vector<16xi32>], vector<16xf32>,
        %parallel_loop3A_132 = arith.index_cast %parallel_loop3A_105 : i32 to index
        %parallel_loop3A_133 = arith.constant 64 : index
        %parallel_loop3A_134 = tpu.vector_load %arg13[%parallel_loop3A_132, %parallel_loop3A_133] {strides = array<i32>} : memref<32x256xf32, #tpu.memory_space<vmem>>, vector<16xf32>,
        %parallel_loop3A_135 = arith.constant 64 : i32
        %parallel_loop3A_136 = tpu.memref_slice %arg10[%parallel_loop3A_135] : memref<32768xf32, #tpu.memory_space<vmem>> -> memref<32704xf32, #tpu.memory_space<vmem>>
        tpu.vector_store_idx %parallel_loop3A_136[%parallel_loop3A_111], %parallel_loop3A_134 {add = true} : memref<32704xf32, #tpu.memory_space<vmem>>[vector<16xi32>], vector<16xf32>,
        %parallel_loop3A_137 = arith.index_cast %parallel_loop3A_105 : i32 to index
        %parallel_loop3A_138 = arith.constant 80 : index
        %parallel_loop3A_139 = tpu.vector_load %arg13[%parallel_loop3A_137, %parallel_loop3A_138] {strides = array<i32>} : memref<32x256xf32, #tpu.memory_space<vmem>>, vector<16xf32>,
        %parallel_loop3A_140 = arith.constant 80 : i32
        %parallel_loop3A_141 = tpu.memref_slice %arg10[%parallel_loop3A_140] : memref<32768xf32, #tpu.memory_space<vmem>> -> memref<32688xf32, #tpu.memory_space<vmem>>
        tpu.vector_store_idx %parallel_loop3A_141[%parallel_loop3A_111], %parallel_loop3A_139 {add = true} : memref<32688xf32, #tpu.memory_space<vmem>>[vector<16xi32>], vector<16xf32>,
        %parallel_loop3A_142 = arith.index_cast %parallel_loop3A_105 : i32 to index
        %parallel_loop3A_143 = arith.constant 96 : index
        %parallel_loop3A_144 = tpu.vector_load %arg13[%parallel_loop3A_142, %parallel_loop3A_143] {strides = array<i32>} : memref<32x256xf32, #tpu.memory_space<vmem>>, vector<16xf32>,
        %parallel_loop3A_145 = arith.constant 96 : i32
        %parallel_loop3A_146 = tpu.memref_slice %arg10[%parallel_loop3A_145] : memref<32768xf32, #tpu.memory_space<vmem>> -> memref<32672xf32, #tpu.memory_space<vmem>>
        tpu.vector_store_idx %parallel_loop3A_146[%parallel_loop3A_111], %parallel_loop3A_144 {add = true} : memref<32672xf32, #tpu.memory_space<vmem>>[vector<16xi32>], vector<16xf32>,
        %parallel_loop3A_147 = arith.index_cast %parallel_loop3A_105 : i32 to index
        %parallel_loop3A_148 = arith.constant 112 : index
        %parallel_loop3A_149 = tpu.vector_load %arg13[%parallel_loop3A_147, %parallel_loop3A_148] {strides = array<i32>} : memref<32x256xf32, #tpu.memory_space<vmem>>, vector<16xf32>,
        %parallel_loop3A_150 = arith.constant 112 : i32
        %parallel_loop3A_151 = tpu.memref_slice %arg10[%parallel_loop3A_150] : memref<32768xf32, #tpu.memory_space<vmem>> -> memref<32656xf32, #tpu.memory_space<vmem>>
        tpu.vector_store_idx %parallel_loop3A_151[%parallel_loop3A_111], %parallel_loop3A_149 {add = true} : memref<32656xf32, #tpu.memory_space<vmem>>[vector<16xi32>], vector<16xf32>,
        %parallel_loop3A_152 = arith.index_cast %parallel_loop3A_105 : i32 to index
        %parallel_loop3A_153 = arith.constant 128 : index
        %parallel_loop3A_154 = tpu.vector_load %arg13[%parallel_loop3A_152, %parallel_loop3A_153] {strides = array<i32>} : memref<32x256xf32, #tpu.memory_space<vmem>>, vector<16xf32>,
        %parallel_loop3A_155 = arith.constant 128 : i32
        %parallel_loop3A_156 = tpu.memref_slice %arg10[%parallel_loop3A_155] : memref<32768xf32, #tpu.memory_space<vmem>> -> memref<32640xf32, #tpu.memory_space<vmem>>
        tpu.vector_store_idx %parallel_loop3A_156[%parallel_loop3A_111], %parallel_loop3A_154 {add = true} : memref<32640xf32, #tpu.memory_space<vmem>>[vector<16xi32>], vector<16xf32>,
        %parallel_loop3A_157 = arith.index_cast %parallel_loop3A_105 : i32 to index
        %parallel_loop3A_158 = arith.constant 144 : index
        %parallel_loop3A_159 = tpu.vector_load %arg13[%parallel_loop3A_157, %parallel_loop3A_158] {strides = array<i32>} : memref<32x256xf32, #tpu.memory_space<vmem>>, vector<16xf32>,
        %parallel_loop3A_160 = arith.constant 144 : i32
        %parallel_loop3A_161 = tpu.memref_slice %arg10[%parallel_loop3A_160] : memref<32768xf32, #tpu.memory_space<vmem>> -> memref<32624xf32, #tpu.memory_space<vmem>>
        tpu.vector_store_idx %parallel_loop3A_161[%parallel_loop3A_111], %parallel_loop3A_159 {add = true} : memref<32624xf32, #tpu.memory_space<vmem>>[vector<16xi32>], vector<16xf32>,
        %parallel_loop3A_162 = arith.index_cast %parallel_loop3A_105 : i32 to index
        %parallel_loop3A_163 = arith.constant 160 : index
        %parallel_loop3A_164 = tpu.vector_load %arg13[%parallel_loop3A_162, %parallel_loop3A_163] {strides = array<i32>} : memref<32x256xf32, #tpu.memory_space<vmem>>, vector<16xf32>,
        %parallel_loop3A_165 = arith.constant 160 : i32
        %parallel_loop3A_166 = tpu.memref_slice %arg10[%parallel_loop3A_165] : memref<32768xf32, #tpu.memory_space<vmem>> -> memref<32608xf32, #tpu.memory_space<vmem>>
        tpu.vector_store_idx %parallel_loop3A_166[%parallel_loop3A_111], %parallel_loop3A_164 {add = true} : memref<32608xf32, #tpu.memory_space<vmem>>[vector<16xi32>], vector<16xf32>,
        %parallel_loop3A_167 = arith.index_cast %parallel_loop3A_105 : i32 to index
        %parallel_loop3A_168 = arith.constant 176 : index
        %parallel_loop3A_169 = tpu.vector_load %arg13[%parallel_loop3A_167, %parallel_loop3A_168] {strides = array<i32>} : memref<32x256xf32, #tpu.memory_space<vmem>>, vector<16xf32>,
        %parallel_loop3A_170 = arith.constant 176 : i32
        %parallel_loop3A_171 = tpu.memref_slice %arg10[%parallel_loop3A_170] : memref<32768xf32, #tpu.memory_space<vmem>> -> memref<32592xf32, #tpu.memory_space<vmem>>
        tpu.vector_store_idx %parallel_loop3A_171[%parallel_loop3A_111], %parallel_loop3A_169 {add = true} : memref<32592xf32, #tpu.memory_space<vmem>>[vector<16xi32>], vector<16xf32>,
        %parallel_loop3A_172 = arith.index_cast %parallel_loop3A_105 : i32 to index
        %parallel_loop3A_173 = arith.constant 192 : index
        %parallel_loop3A_174 = tpu.vector_load %arg13[%parallel_loop3A_172, %parallel_loop3A_173] {strides = array<i32>} : memref<32x256xf32, #tpu.memory_space<vmem>>, vector<16xf32>,
        %parallel_loop3A_175 = arith.constant 192 : i32
        %parallel_loop3A_176 = tpu.memref_slice %arg10[%parallel_loop3A_175] : memref<32768xf32, #tpu.memory_space<vmem>> -> memref<32576xf32, #tpu.memory_space<vmem>>
        tpu.vector_store_idx %parallel_loop3A_176[%parallel_loop3A_111], %parallel_loop3A_174 {add = true} : memref<32576xf32, #tpu.memory_space<vmem>>[vector<16xi32>], vector<16xf32>,
        %parallel_loop3A_177 = arith.index_cast %parallel_loop3A_105 : i32 to index
        %parallel_loop3A_178 = arith.constant 208 : index
        %parallel_loop3A_179 = tpu.vector_load %arg13[%parallel_loop3A_177, %parallel_loop3A_178] {strides = array<i32>} : memref<32x256xf32, #tpu.memory_space<vmem>>, vector<16xf32>,
        %parallel_loop3A_180 = arith.constant 208 : i32
        %parallel_loop3A_181 = tpu.memref_slice %arg10[%parallel_loop3A_180] : memref<32768xf32, #tpu.memory_space<vmem>> -> memref<32560xf32, #tpu.memory_space<vmem>>
        tpu.vector_store_idx %parallel_loop3A_181[%parallel_loop3A_111], %parallel_loop3A_179 {add = true} : memref<32560xf32, #tpu.memory_space<vmem>>[vector<16xi32>], vector<16xf32>,
        %parallel_loop3A_182 = arith.index_cast %parallel_loop3A_105 : i32 to index
        %parallel_loop3A_183 = arith.constant 224 : index
        %parallel_loop3A_184 = tpu.vector_load %arg13[%parallel_loop3A_182, %parallel_loop3A_183] {strides = array<i32>} : memref<32x256xf32, #tpu.memory_space<vmem>>, vector<16xf32>,
        %parallel_loop3A_185 = arith.constant 224 : i32
        %parallel_loop3A_186 = tpu.memref_slice %arg10[%parallel_loop3A_185] : memref<32768xf32, #tpu.memory_space<vmem>> -> memref<32544xf32, #tpu.memory_space<vmem>>
        tpu.vector_store_idx %parallel_loop3A_186[%parallel_loop3A_111], %parallel_loop3A_184 {add = true} : memref<32544xf32, #tpu.memory_space<vmem>>[vector<16xi32>], vector<16xf32>,
        %parallel_loop3A_187 = arith.index_cast %parallel_loop3A_105 : i32 to index
        %parallel_loop3A_188 = arith.constant 240 : index
        %parallel_loop3A_189 = tpu.vector_load %arg13[%parallel_loop3A_187, %parallel_loop3A_188] {strides = array<i32>} : memref<32x256xf32, #tpu.memory_space<vmem>>, vector<16xf32>,
        %parallel_loop3A_190 = arith.constant 240 : i32
        %parallel_loop3A_191 = tpu.memref_slice %arg10[%parallel_loop3A_190] : memref<32768xf32, #tpu.memory_space<vmem>> -> memref<32528xf32, #tpu.memory_space<vmem>>
        tpu.vector_store_idx %parallel_loop3A_191[%parallel_loop3A_111], %parallel_loop3A_189 {add = true} : memref<32528xf32, #tpu.memory_space<vmem>>[vector<16xi32>], vector<16xf32>,
      } {sc.loop_unroll_factor = 2 : i64, sc.parallel_access}
      %parallel_loop3A_78 = arith.constant 0 : i32
      %parallel_loop3A_79 = arith.constant 32 : i32
      %parallel_loop3A_80 = arith.constant 1 : i32
      scf.for %parallel_loop3A_105 = %parallel_loop3A_78 to %parallel_loop3A_79 step %parallel_loop3A_80  : i32 {
        %parallel_loop3A_106 = arith.constant 32 : i32
        %parallel_loop3A_107 = arith.muli %add3A_50, %parallel_loop3A_106 : i32
        %parallel_loop3A_108 = arith.addi %parallel_loop3A_107, %parallel_loop3A_105 : i32
        %parallel_loop3A_109 = vector.broadcast %parallel_loop3A_108 : i32 to vector<16xi32>
        %parallel_loop3A_110 = tpu.vector_load_idx %arg19[%parallel_loop3A_109] : memref<2048xi32, #tpu.memory_space<vmem>>[vector<16xi32>], vector<16xi32>,
        %parallel_loop3A_111 = arith.addi %parallel_loop3A_110, %iota3A : vector<16xi32>
        %parallel_loop3A_112 = arith.index_cast %parallel_loop3A_105 : i32 to index
        %parallel_loop3A_113 = arith.constant 0 : index
        %parallel_loop3A_114 = tpu.vector_load %arg15[%parallel_loop3A_112, %parallel_loop3A_113] {strides = array<i32>} : memref<32x256xf32, #tpu.memory_space<vmem>>, vector<16xf32>,
        %parallel_loop3A_115 = arith.constant 0 : i32
        %parallel_loop3A_116 = tpu.memref_slice %arg11[%parallel_loop3A_115] : memref<32768xf32, #tpu.memory_space<vmem>> -> memref<32768xf32, #tpu.memory_space<vmem>>
        tpu.vector_store_idx %parallel_loop3A_116[%parallel_loop3A_111], %parallel_loop3A_114 {add = true} : memref<32768xf32, #tpu.memory_space<vmem>>[vector<16xi32>], vector<16xf32>,
        %parallel_loop3A_117 = arith.index_cast %parallel_loop3A_105 : i32 to index
        %parallel_loop3A_118 = arith.constant 16 : index
        %parallel_loop3A_119 = tpu.vector_load %arg15[%parallel_loop3A_117, %parallel_loop3A_118] {strides = array<i32>} : memref<32x256xf32, #tpu.memory_space<vmem>>, vector<16xf32>,
        %parallel_loop3A_120 = arith.constant 16 : i32
        %parallel_loop3A_121 = tpu.memref_slice %arg11[%parallel_loop3A_120] : memref<32768xf32, #tpu.memory_space<vmem>> -> memref<32752xf32, #tpu.memory_space<vmem>>
        tpu.vector_store_idx %parallel_loop3A_121[%parallel_loop3A_111], %parallel_loop3A_119 {add = true} : memref<32752xf32, #tpu.memory_space<vmem>>[vector<16xi32>], vector<16xf32>,
        %parallel_loop3A_122 = arith.index_cast %parallel_loop3A_105 : i32 to index
        %parallel_loop3A_123 = arith.constant 32 : index
        %parallel_loop3A_124 = tpu.vector_load %arg15[%parallel_loop3A_122, %parallel_loop3A_123] {strides = array<i32>} : memref<32x256xf32, #tpu.memory_space<vmem>>, vector<16xf32>,
        %parallel_loop3A_125 = arith.constant 32 : i32
        %parallel_loop3A_126 = tpu.memref_slice %arg11[%parallel_loop3A_125] : memref<32768xf32, #tpu.memory_space<vmem>> -> memref<32736xf32, #tpu.memory_space<vmem>>
        tpu.vector_store_idx %parallel_loop3A_126[%parallel_loop3A_111], %parallel_loop3A_124 {add = true} : memref<32736xf32, #tpu.memory_space<vmem>>[vector<16xi32>], vector<16xf32>,
        %parallel_loop3A_127 = arith.index_cast %parallel_loop3A_105 : i32 to index
        %parallel_loop3A_128 = arith.constant 48 : index
        %parallel_loop3A_129 = tpu.vector_load %arg15[%parallel_loop3A_127, %parallel_loop3A_128] {strides = array<i32>} : memref<32x256xf32, #tpu.memory_space<vmem>>, vector<16xf32>,
        %parallel_loop3A_130 = arith.constant 48 : i32
        %parallel_loop3A_131 = tpu.memref_slice %arg11[%parallel_loop3A_130] : memref<32768xf32, #tpu.memory_space<vmem>> -> memref<32720xf32, #tpu.memory_space<vmem>>
        tpu.vector_store_idx %parallel_loop3A_131[%parallel_loop3A_111], %parallel_loop3A_129 {add = true} : memref<32720xf32, #tpu.memory_space<vmem>>[vector<16xi32>], vector<16xf32>,
        %parallel_loop3A_132 = arith.index_cast %parallel_loop3A_105 : i32 to index
        %parallel_loop3A_133 = arith.constant 64 : index
        %parallel_loop3A_134 = tpu.vector_load %arg15[%parallel_loop3A_132, %parallel_loop3A_133] {strides = array<i32>} : memref<32x256xf32, #tpu.memory_space<vmem>>, vector<16xf32>,
        %parallel_loop3A_135 = arith.constant 64 : i32
        %parallel_loop3A_136 = tpu.memref_slice %arg11[%parallel_loop3A_135] : memref<32768xf32, #tpu.memory_space<vmem>> -> memref<32704xf32, #tpu.memory_space<vmem>>
        tpu.vector_store_idx %parallel_loop3A_136[%parallel_loop3A_111], %parallel_loop3A_134 {add = true} : memref<32704xf32, #tpu.memory_space<vmem>>[vector<16xi32>], vector<16xf32>,
        %parallel_loop3A_137 = arith.index_cast %parallel_loop3A_105 : i32 to index
        %parallel_loop3A_138 = arith.constant 80 : index
        %parallel_loop3A_139 = tpu.vector_load %arg15[%parallel_loop3A_137, %parallel_loop3A_138] {strides = array<i32>} : memref<32x256xf32, #tpu.memory_space<vmem>>, vector<16xf32>,
        %parallel_loop3A_140 = arith.constant 80 : i32
        %parallel_loop3A_141 = tpu.memref_slice %arg11[%parallel_loop3A_140] : memref<32768xf32, #tpu.memory_space<vmem>> -> memref<32688xf32, #tpu.memory_space<vmem>>
        tpu.vector_store_idx %parallel_loop3A_141[%parallel_loop3A_111], %parallel_loop3A_139 {add = true} : memref<32688xf32, #tpu.memory_space<vmem>>[vector<16xi32>], vector<16xf32>,
        %parallel_loop3A_142 = arith.index_cast %parallel_loop3A_105 : i32 to index
        %parallel_loop3A_143 = arith.constant 96 : index
        %parallel_loop3A_144 = tpu.vector_load %arg15[%parallel_loop3A_142, %parallel_loop3A_143] {strides = array<i32>} : memref<32x256xf32, #tpu.memory_space<vmem>>, vector<16xf32>,
        %parallel_loop3A_145 = arith.constant 96 : i32
        %parallel_loop3A_146 = tpu.memref_slice %arg11[%parallel_loop3A_145] : memref<32768xf32, #tpu.memory_space<vmem>> -> memref<32672xf32, #tpu.memory_space<vmem>>
        tpu.vector_store_idx %parallel_loop3A_146[%parallel_loop3A_111], %parallel_loop3A_144 {add = true} : memref<32672xf32, #tpu.memory_space<vmem>>[vector<16xi32>], vector<16xf32>,
        %parallel_loop3A_147 = arith.index_cast %parallel_loop3A_105 : i32 to index
        %parallel_loop3A_148 = arith.constant 112 : index
        %parallel_loop3A_149 = tpu.vector_load %arg15[%parallel_loop3A_147, %parallel_loop3A_148] {strides = array<i32>} : memref<32x256xf32, #tpu.memory_space<vmem>>, vector<16xf32>,
        %parallel_loop3A_150 = arith.constant 112 : i32
        %parallel_loop3A_151 = tpu.memref_slice %arg11[%parallel_loop3A_150] : memref<32768xf32, #tpu.memory_space<vmem>> -> memref<32656xf32, #tpu.memory_space<vmem>>
        tpu.vector_store_idx %parallel_loop3A_151[%parallel_loop3A_111], %parallel_loop3A_149 {add = true} : memref<32656xf32, #tpu.memory_space<vmem>>[vector<16xi32>], vector<16xf32>,
        %parallel_loop3A_152 = arith.index_cast %parallel_loop3A_105 : i32 to index
        %parallel_loop3A_153 = arith.constant 128 : index
        %parallel_loop3A_154 = tpu.vector_load %arg15[%parallel_loop3A_152, %parallel_loop3A_153] {strides = array<i32>} : memref<32x256xf32, #tpu.memory_space<vmem>>, vector<16xf32>,
        %parallel_loop3A_155 = arith.constant 128 : i32
        %parallel_loop3A_156 = tpu.memref_slice %arg11[%parallel_loop3A_155] : memref<32768xf32, #tpu.memory_space<vmem>> -> memref<32640xf32, #tpu.memory_space<vmem>>
        tpu.vector_store_idx %parallel_loop3A_156[%parallel_loop3A_111], %parallel_loop3A_154 {add = true} : memref<32640xf32, #tpu.memory_space<vmem>>[vector<16xi32>], vector<16xf32>,
        %parallel_loop3A_157 = arith.index_cast %parallel_loop3A_105 : i32 to index
        %parallel_loop3A_158 = arith.constant 144 : index
        %parallel_loop3A_159 = tpu.vector_load %arg15[%parallel_loop3A_157, %parallel_loop3A_158] {strides = array<i32>} : memref<32x256xf32, #tpu.memory_space<vmem>>, vector<16xf32>,
        %parallel_loop3A_160 = arith.constant 144 : i32
        %parallel_loop3A_161 = tpu.memref_slice %arg11[%parallel_loop3A_160] : memref<32768xf32, #tpu.memory_space<vmem>> -> memref<32624xf32, #tpu.memory_space<vmem>>
        tpu.vector_store_idx %parallel_loop3A_161[%parallel_loop3A_111], %parallel_loop3A_159 {add = true} : memref<32624xf32, #tpu.memory_space<vmem>>[vector<16xi32>], vector<16xf32>,
        %parallel_loop3A_162 = arith.index_cast %parallel_loop3A_105 : i32 to index
        %parallel_loop3A_163 = arith.constant 160 : index
        %parallel_loop3A_164 = tpu.vector_load %arg15[%parallel_loop3A_162, %parallel_loop3A_163] {strides = array<i32>} : memref<32x256xf32, #tpu.memory_space<vmem>>, vector<16xf32>,
        %parallel_loop3A_165 = arith.constant 160 : i32
        %parallel_loop3A_166 = tpu.memref_slice %arg11[%parallel_loop3A_165] : memref<32768xf32, #tpu.memory_space<vmem>> -> memref<32608xf32, #tpu.memory_space<vmem>>
        tpu.vector_store_idx %parallel_loop3A_166[%parallel_loop3A_111], %parallel_loop3A_164 {add = true} : memref<32608xf32, #tpu.memory_space<vmem>>[vector<16xi32>], vector<16xf32>,
        %parallel_loop3A_167 = arith.index_cast %parallel_loop3A_105 : i32 to index
        %parallel_loop3A_168 = arith.constant 176 : index
        %parallel_loop3A_169 = tpu.vector_load %arg15[%parallel_loop3A_167, %parallel_loop3A_168] {strides = array<i32>} : memref<32x256xf32, #tpu.memory_space<vmem>>, vector<16xf32>,
        %parallel_loop3A_170 = arith.constant 176 : i32
        %parallel_loop3A_171 = tpu.memref_slice %arg11[%parallel_loop3A_170] : memref<32768xf32, #tpu.memory_space<vmem>> -> memref<32592xf32, #tpu.memory_space<vmem>>
        tpu.vector_store_idx %parallel_loop3A_171[%parallel_loop3A_111], %parallel_loop3A_169 {add = true} : memref<32592xf32, #tpu.memory_space<vmem>>[vector<16xi32>], vector<16xf32>,
        %parallel_loop3A_172 = arith.index_cast %parallel_loop3A_105 : i32 to index
        %parallel_loop3A_173 = arith.constant 192 : index
        %parallel_loop3A_174 = tpu.vector_load %arg15[%parallel_loop3A_172, %parallel_loop3A_173] {strides = array<i32>} : memref<32x256xf32, #tpu.memory_space<vmem>>, vector<16xf32>,
        %parallel_loop3A_175 = arith.constant 192 : i32
        %parallel_loop3A_176 = tpu.memref_slice %arg11[%parallel_loop3A_175] : memref<32768xf32, #tpu.memory_space<vmem>> -> memref<32576xf32, #tpu.memory_space<vmem>>
        tpu.vector_store_idx %parallel_loop3A_176[%parallel_loop3A_111], %parallel_loop3A_174 {add = true} : memref<32576xf32, #tpu.memory_space<vmem>>[vector<16xi32>], vector<16xf32>,
        %parallel_loop3A_177 = arith.index_cast %parallel_loop3A_105 : i32 to index
        %parallel_loop3A_178 = arith.constant 208 : index
        %parallel_loop3A_179 = tpu.vector_load %arg15[%parallel_loop3A_177, %parallel_loop3A_178] {strides = array<i32>} : memref<32x256xf32, #tpu.memory_space<vmem>>, vector<16xf32>,
        %parallel_loop3A_180 = arith.constant 208 : i32
        %parallel_loop3A_181 = tpu.memref_slice %arg11[%parallel_loop3A_180] : memref<32768xf32, #tpu.memory_space<vmem>> -> memref<32560xf32, #tpu.memory_space<vmem>>
        tpu.vector_store_idx %parallel_loop3A_181[%parallel_loop3A_111], %parallel_loop3A_179 {add = true} : memref<32560xf32, #tpu.memory_space<vmem>>[vector<16xi32>], vector<16xf32>,
        %parallel_loop3A_182 = arith.index_cast %parallel_loop3A_105 : i32 to index
        %parallel_loop3A_183 = arith.constant 224 : index
        %parallel_loop3A_184 = tpu.vector_load %arg15[%parallel_loop3A_182, %parallel_loop3A_183] {strides = array<i32>} : memref<32x256xf32, #tpu.memory_space<vmem>>, vector<16xf32>,
        %parallel_loop3A_185 = arith.constant 224 : i32
        %parallel_loop3A_186 = tpu.memref_slice %arg11[%parallel_loop3A_185] : memref<32768xf32, #tpu.memory_space<vmem>> -> memref<32544xf32, #tpu.memory_space<vmem>>
        tpu.vector_store_idx %parallel_loop3A_186[%parallel_loop3A_111], %parallel_loop3A_184 {add = true} : memref<32544xf32, #tpu.memory_space<vmem>>[vector<16xi32>], vector<16xf32>,
        %parallel_loop3A_187 = arith.index_cast %parallel_loop3A_105 : i32 to index
        %parallel_loop3A_188 = arith.constant 240 : index
        %parallel_loop3A_189 = tpu.vector_load %arg15[%parallel_loop3A_187, %parallel_loop3A_188] {strides = array<i32>} : memref<32x256xf32, #tpu.memory_space<vmem>>, vector<16xf32>,
        %parallel_loop3A_190 = arith.constant 240 : i32
        %parallel_loop3A_191 = tpu.memref_slice %arg11[%parallel_loop3A_190] : memref<32768xf32, #tpu.memory_space<vmem>> -> memref<32528xf32, #tpu.memory_space<vmem>>
        tpu.vector_store_idx %parallel_loop3A_191[%parallel_loop3A_111], %parallel_loop3A_189 {add = true} : memref<32528xf32, #tpu.memory_space<vmem>>[vector<16xi32>], vector<16xf32>,
      } {sc.loop_unroll_factor = 2 : i64, sc.parallel_access}
      %add3A_81 = arith.constant 2 : i32
      %add3A_82 = arith.addi %add3A_50, %add3A_81 : i32
      %lt3A = arith.constant 64 : i32
      %lt3A_83 = arith.cmpi slt, %add3A_82, %lt3A : i32
      %convert_element_type3A = arith.extui %lt3A_83 : i1 to i32
      %cond3A = arith.constant 0 : i32
      %cond3A_84 = arith.cmpi ne, %convert_element_type3A, %cond3A : i32
      scf.if %cond3A_84 {
        %add3A_105 = arith.constant 2 : i32
        %add3A_106 = arith.addi %add3A_50, %add3A_105 : i32
        %mul3A_107 = arith.constant 32 : i32
        %mul3A_108 = arith.muli %add3A_106, %mul3A_107 : i32
        %add3A_109 = arith.addi %mul3A_2, %mul3A_108 : i32
        %dma_start3A_110 = arith.constant 0 : i32
        %dma_start3A_111 = tpu.memref_slice %arg2[%add3A_109, %dma_start3A_110] : memref<65536x256xf32, #tpu.memory_space<hbm>> -> memref<32x256xf32, #tpu.memory_space<hbm>>
        %dma_start3A_112 = arith.constant 0 : i32
        %dma_start3A_113 = tpu.memref_slice %arg2[%add3A_109, %dma_start3A_112] : memref<65536x256xf32, #tpu.memory_space<hbm>> -> memref<32x256xf32, #tpu.memory_space<hbm>>
        tpu.enqueue_dma source(%dma_start3A_113 : memref<32x256xf32, #tpu.memory_space<hbm>>) target(%arg13 : memref<32x256xf32, #tpu.memory_space<vmem>>) target_semaphore(%arg20 : memref<!tpu.dma_semaphore, #tpu.memory_space<semaphore_mem>>)
        %dma_start3A_114 = arith.constant 0 : i32
        %dma_start3A_115 = tpu.memref_slice %arg3[%add3A_109, %dma_start3A_114] : memref<65536x256xf32, #tpu.memory_space<hbm>> -> memref<32x256xf32, #tpu.memory_space<hbm>>
        %dma_start3A_116 = arith.constant 0 : i32
        %dma_start3A_117 = tpu.memref_slice %arg3[%add3A_109, %dma_start3A_116] : memref<65536x256xf32, #tpu.memory_space<hbm>> -> memref<32x256xf32, #tpu.memory_space<hbm>>
        tpu.enqueue_dma source(%dma_start3A_117 : memref<32x256xf32, #tpu.memory_space<hbm>>) target(%arg15 : memref<32x256xf32, #tpu.memory_space<vmem>>) target_semaphore(%arg22 : memref<!tpu.dma_semaphore, #tpu.memory_space<semaphore_mem>>)
      } else {
      }
      %dma_wait3A_85 = arith.constant 0 : i32
      %dma_wait3A_86 = arith.constant 0 : i32
      %dma_wait3A_87 = tpu.memref_slice %arg2[%dma_wait3A_85, %dma_wait3A_86] : memref<65536x256xf32, #tpu.memory_space<hbm>> -> memref<32x256xf32, #tpu.memory_space<hbm>>
      %dma_wait3A_88 = arith.constant 0 : i32
      %dma_wait3A_89 = arith.constant 0 : i32
      %dma_wait3A_90 = tpu.memref_slice %arg2[%dma_wait3A_88, %dma_wait3A_89] : memref<65536x256xf32, #tpu.memory_space<hbm>> -> memref<32x256xf32, #tpu.memory_space<hbm>>
      tpu.wait_dma2 semaphore(%arg21 : memref<!tpu.dma_semaphore, #tpu.memory_space<semaphore_mem>>) src(%dma_wait3A_90 : memref<32x256xf32, #tpu.memory_space<hbm>>) dst(%arg14 : memref<32x256xf32, #tpu.memory_space<vmem>>)
      %dma_wait3A_91 = arith.constant 0 : i32
      %dma_wait3A_92 = arith.constant 0 : i32
      %dma_wait3A_93 = tpu.memref_slice %arg3[%dma_wait3A_91, %dma_wait3A_92] : memref<65536x256xf32, #tpu.memory_space<hbm>> -> memref<32x256xf32, #tpu.memory_space<hbm>>
      %dma_wait3A_94 = arith.constant 0 : i32
      %dma_wait3A_95 = arith.constant 0 : i32
      %dma_wait3A_96 = tpu.memref_slice %arg3[%dma_wait3A_94, %dma_wait3A_95] : memref<65536x256xf32, #tpu.memory_space<hbm>> -> memref<32x256xf32, #tpu.memory_space<hbm>>
      tpu.wait_dma2 semaphore(%arg23 : memref<!tpu.dma_semaphore, #tpu.memory_space<semaphore_mem>>) src(%dma_wait3A_96 : memref<32x256xf32, #tpu.memory_space<hbm>>) dst(%arg16 : memref<32x256xf32, #tpu.memory_space<vmem>>)
      %add3A_97 = arith.constant 1 : i32
      %add3A_98 = arith.addi %add3A_50, %add3A_97 : i32
      %parallel_loop3A_99 = arith.constant 0 : i32
      %parallel_loop3A_100 = arith.constant 32 : i32
      %parallel_loop3A_101 = arith.constant 1 : i32
      scf.for %parallel_loop3A_105 = %parallel_loop3A_99 to %parallel_loop3A_100 step %parallel_loop3A_101  : i32 {
        %parallel_loop3A_106 = arith.constant 32 : i32
        %parallel_loop3A_107 = arith.muli %add3A_98, %parallel_loop3A_106 : i32
        %parallel_loop3A_108 = arith.addi %parallel_loop3A_107, %parallel_loop3A_105 : i32
        %parallel_loop3A_109 = vector.broadcast %parallel_loop3A_108 : i32 to vector<16xi32>
        %parallel_loop3A_110 = tpu.vector_load_idx %arg19[%parallel_loop3A_109] : memref<2048xi32, #tpu.memory_space<vmem>>[vector<16xi32>], vector<16xi32>,
        %parallel_loop3A_111 = arith.addi %parallel_loop3A_110, %iota3A : vector<16xi32>
        %parallel_loop3A_112 = arith.index_cast %parallel_loop3A_105 : i32 to index
        %parallel_loop3A_113 = arith.constant 0 : index
        %parallel_loop3A_114 = tpu.vector_load %arg14[%parallel_loop3A_112, %parallel_loop3A_113] {strides = array<i32>} : memref<32x256xf32, #tpu.memory_space<vmem>>, vector<16xf32>,
        %parallel_loop3A_115 = arith.constant 0 : i32
        %parallel_loop3A_116 = tpu.memref_slice %arg10[%parallel_loop3A_115] : memref<32768xf32, #tpu.memory_space<vmem>> -> memref<32768xf32, #tpu.memory_space<vmem>>
        tpu.vector_store_idx %parallel_loop3A_116[%parallel_loop3A_111], %parallel_loop3A_114 {add = true} : memref<32768xf32, #tpu.memory_space<vmem>>[vector<16xi32>], vector<16xf32>,
        %parallel_loop3A_117 = arith.index_cast %parallel_loop3A_105 : i32 to index
        %parallel_loop3A_118 = arith.constant 16 : index
        %parallel_loop3A_119 = tpu.vector_load %arg14[%parallel_loop3A_117, %parallel_loop3A_118] {strides = array<i32>} : memref<32x256xf32, #tpu.memory_space<vmem>>, vector<16xf32>,
        %parallel_loop3A_120 = arith.constant 16 : i32
        %parallel_loop3A_121 = tpu.memref_slice %arg10[%parallel_loop3A_120] : memref<32768xf32, #tpu.memory_space<vmem>> -> memref<32752xf32, #tpu.memory_space<vmem>>
        tpu.vector_store_idx %parallel_loop3A_121[%parallel_loop3A_111], %parallel_loop3A_119 {add = true} : memref<32752xf32, #tpu.memory_space<vmem>>[vector<16xi32>], vector<16xf32>,
        %parallel_loop3A_122 = arith.index_cast %parallel_loop3A_105 : i32 to index
        %parallel_loop3A_123 = arith.constant 32 : index
        %parallel_loop3A_124 = tpu.vector_load %arg14[%parallel_loop3A_122, %parallel_loop3A_123] {strides = array<i32>} : memref<32x256xf32, #tpu.memory_space<vmem>>, vector<16xf32>,
        %parallel_loop3A_125 = arith.constant 32 : i32
        %parallel_loop3A_126 = tpu.memref_slice %arg10[%parallel_loop3A_125] : memref<32768xf32, #tpu.memory_space<vmem>> -> memref<32736xf32, #tpu.memory_space<vmem>>
        tpu.vector_store_idx %parallel_loop3A_126[%parallel_loop3A_111], %parallel_loop3A_124 {add = true} : memref<32736xf32, #tpu.memory_space<vmem>>[vector<16xi32>], vector<16xf32>,
        %parallel_loop3A_127 = arith.index_cast %parallel_loop3A_105 : i32 to index
        %parallel_loop3A_128 = arith.constant 48 : index
        %parallel_loop3A_129 = tpu.vector_load %arg14[%parallel_loop3A_127, %parallel_loop3A_128] {strides = array<i32>} : memref<32x256xf32, #tpu.memory_space<vmem>>, vector<16xf32>,
        %parallel_loop3A_130 = arith.constant 48 : i32
        %parallel_loop3A_131 = tpu.memref_slice %arg10[%parallel_loop3A_130] : memref<32768xf32, #tpu.memory_space<vmem>> -> memref<32720xf32, #tpu.memory_space<vmem>>
        tpu.vector_store_idx %parallel_loop3A_131[%parallel_loop3A_111], %parallel_loop3A_129 {add = true} : memref<32720xf32, #tpu.memory_space<vmem>>[vector<16xi32>], vector<16xf32>,
        %parallel_loop3A_132 = arith.index_cast %parallel_loop3A_105 : i32 to index
        %parallel_loop3A_133 = arith.constant 64 : index
        %parallel_loop3A_134 = tpu.vector_load %arg14[%parallel_loop3A_132, %parallel_loop3A_133] {strides = array<i32>} : memref<32x256xf32, #tpu.memory_space<vmem>>, vector<16xf32>,
        %parallel_loop3A_135 = arith.constant 64 : i32
        %parallel_loop3A_136 = tpu.memref_slice %arg10[%parallel_loop3A_135] : memref<32768xf32, #tpu.memory_space<vmem>> -> memref<32704xf32, #tpu.memory_space<vmem>>
        tpu.vector_store_idx %parallel_loop3A_136[%parallel_loop3A_111], %parallel_loop3A_134 {add = true} : memref<32704xf32, #tpu.memory_space<vmem>>[vector<16xi32>], vector<16xf32>,
        %parallel_loop3A_137 = arith.index_cast %parallel_loop3A_105 : i32 to index
        %parallel_loop3A_138 = arith.constant 80 : index
        %parallel_loop3A_139 = tpu.vector_load %arg14[%parallel_loop3A_137, %parallel_loop3A_138] {strides = array<i32>} : memref<32x256xf32, #tpu.memory_space<vmem>>, vector<16xf32>,
        %parallel_loop3A_140 = arith.constant 80 : i32
        %parallel_loop3A_141 = tpu.memref_slice %arg10[%parallel_loop3A_140] : memref<32768xf32, #tpu.memory_space<vmem>> -> memref<32688xf32, #tpu.memory_space<vmem>>
        tpu.vector_store_idx %parallel_loop3A_141[%parallel_loop3A_111], %parallel_loop3A_139 {add = true} : memref<32688xf32, #tpu.memory_space<vmem>>[vector<16xi32>], vector<16xf32>,
        %parallel_loop3A_142 = arith.index_cast %parallel_loop3A_105 : i32 to index
        %parallel_loop3A_143 = arith.constant 96 : index
        %parallel_loop3A_144 = tpu.vector_load %arg14[%parallel_loop3A_142, %parallel_loop3A_143] {strides = array<i32>} : memref<32x256xf32, #tpu.memory_space<vmem>>, vector<16xf32>,
        %parallel_loop3A_145 = arith.constant 96 : i32
        %parallel_loop3A_146 = tpu.memref_slice %arg10[%parallel_loop3A_145] : memref<32768xf32, #tpu.memory_space<vmem>> -> memref<32672xf32, #tpu.memory_space<vmem>>
        tpu.vector_store_idx %parallel_loop3A_146[%parallel_loop3A_111], %parallel_loop3A_144 {add = true} : memref<32672xf32, #tpu.memory_space<vmem>>[vector<16xi32>], vector<16xf32>,
        %parallel_loop3A_147 = arith.index_cast %parallel_loop3A_105 : i32 to index
        %parallel_loop3A_148 = arith.constant 112 : index
        %parallel_loop3A_149 = tpu.vector_load %arg14[%parallel_loop3A_147, %parallel_loop3A_148] {strides = array<i32>} : memref<32x256xf32, #tpu.memory_space<vmem>>, vector<16xf32>,
        %parallel_loop3A_150 = arith.constant 112 : i32
        %parallel_loop3A_151 = tpu.memref_slice %arg10[%parallel_loop3A_150] : memref<32768xf32, #tpu.memory_space<vmem>> -> memref<32656xf32, #tpu.memory_space<vmem>>
        tpu.vector_store_idx %parallel_loop3A_151[%parallel_loop3A_111], %parallel_loop3A_149 {add = true} : memref<32656xf32, #tpu.memory_space<vmem>>[vector<16xi32>], vector<16xf32>,
        %parallel_loop3A_152 = arith.index_cast %parallel_loop3A_105 : i32 to index
        %parallel_loop3A_153 = arith.constant 128 : index
        %parallel_loop3A_154 = tpu.vector_load %arg14[%parallel_loop3A_152, %parallel_loop3A_153] {strides = array<i32>} : memref<32x256xf32, #tpu.memory_space<vmem>>, vector<16xf32>,
        %parallel_loop3A_155 = arith.constant 128 : i32
        %parallel_loop3A_156 = tpu.memref_slice %arg10[%parallel_loop3A_155] : memref<32768xf32, #tpu.memory_space<vmem>> -> memref<32640xf32, #tpu.memory_space<vmem>>
        tpu.vector_store_idx %parallel_loop3A_156[%parallel_loop3A_111], %parallel_loop3A_154 {add = true} : memref<32640xf32, #tpu.memory_space<vmem>>[vector<16xi32>], vector<16xf32>,
        %parallel_loop3A_157 = arith.index_cast %parallel_loop3A_105 : i32 to index
        %parallel_loop3A_158 = arith.constant 144 : index
        %parallel_loop3A_159 = tpu.vector_load %arg14[%parallel_loop3A_157, %parallel_loop3A_158] {strides = array<i32>} : memref<32x256xf32, #tpu.memory_space<vmem>>, vector<16xf32>,
        %parallel_loop3A_160 = arith.constant 144 : i32
        %parallel_loop3A_161 = tpu.memref_slice %arg10[%parallel_loop3A_160] : memref<32768xf32, #tpu.memory_space<vmem>> -> memref<32624xf32, #tpu.memory_space<vmem>>
        tpu.vector_store_idx %parallel_loop3A_161[%parallel_loop3A_111], %parallel_loop3A_159 {add = true} : memref<32624xf32, #tpu.memory_space<vmem>>[vector<16xi32>], vector<16xf32>,
        %parallel_loop3A_162 = arith.index_cast %parallel_loop3A_105 : i32 to index
        %parallel_loop3A_163 = arith.constant 160 : index
        %parallel_loop3A_164 = tpu.vector_load %arg14[%parallel_loop3A_162, %parallel_loop3A_163] {strides = array<i32>} : memref<32x256xf32, #tpu.memory_space<vmem>>, vector<16xf32>,
        %parallel_loop3A_165 = arith.constant 160 : i32
        %parallel_loop3A_166 = tpu.memref_slice %arg10[%parallel_loop3A_165] : memref<32768xf32, #tpu.memory_space<vmem>> -> memref<32608xf32, #tpu.memory_space<vmem>>
        tpu.vector_store_idx %parallel_loop3A_166[%parallel_loop3A_111], %parallel_loop3A_164 {add = true} : memref<32608xf32, #tpu.memory_space<vmem>>[vector<16xi32>], vector<16xf32>,
        %parallel_loop3A_167 = arith.index_cast %parallel_loop3A_105 : i32 to index
        %parallel_loop3A_168 = arith.constant 176 : index
        %parallel_loop3A_169 = tpu.vector_load %arg14[%parallel_loop3A_167, %parallel_loop3A_168] {strides = array<i32>} : memref<32x256xf32, #tpu.memory_space<vmem>>, vector<16xf32>,
        %parallel_loop3A_170 = arith.constant 176 : i32
        %parallel_loop3A_171 = tpu.memref_slice %arg10[%parallel_loop3A_170] : memref<32768xf32, #tpu.memory_space<vmem>> -> memref<32592xf32, #tpu.memory_space<vmem>>
        tpu.vector_store_idx %parallel_loop3A_171[%parallel_loop3A_111], %parallel_loop3A_169 {add = true} : memref<32592xf32, #tpu.memory_space<vmem>>[vector<16xi32>], vector<16xf32>,
        %parallel_loop3A_172 = arith.index_cast %parallel_loop3A_105 : i32 to index
        %parallel_loop3A_173 = arith.constant 192 : index
        %parallel_loop3A_174 = tpu.vector_load %arg14[%parallel_loop3A_172, %parallel_loop3A_173] {strides = array<i32>} : memref<32x256xf32, #tpu.memory_space<vmem>>, vector<16xf32>,
        %parallel_loop3A_175 = arith.constant 192 : i32
        %parallel_loop3A_176 = tpu.memref_slice %arg10[%parallel_loop3A_175] : memref<32768xf32, #tpu.memory_space<vmem>> -> memref<32576xf32, #tpu.memory_space<vmem>>
        tpu.vector_store_idx %parallel_loop3A_176[%parallel_loop3A_111], %parallel_loop3A_174 {add = true} : memref<32576xf32, #tpu.memory_space<vmem>>[vector<16xi32>], vector<16xf32>,
        %parallel_loop3A_177 = arith.index_cast %parallel_loop3A_105 : i32 to index
        %parallel_loop3A_178 = arith.constant 208 : index
        %parallel_loop3A_179 = tpu.vector_load %arg14[%parallel_loop3A_177, %parallel_loop3A_178] {strides = array<i32>} : memref<32x256xf32, #tpu.memory_space<vmem>>, vector<16xf32>,
        %parallel_loop3A_180 = arith.constant 208 : i32
        %parallel_loop3A_181 = tpu.memref_slice %arg10[%parallel_loop3A_180] : memref<32768xf32, #tpu.memory_space<vmem>> -> memref<32560xf32, #tpu.memory_space<vmem>>
        tpu.vector_store_idx %parallel_loop3A_181[%parallel_loop3A_111], %parallel_loop3A_179 {add = true} : memref<32560xf32, #tpu.memory_space<vmem>>[vector<16xi32>], vector<16xf32>,
        %parallel_loop3A_182 = arith.index_cast %parallel_loop3A_105 : i32 to index
        %parallel_loop3A_183 = arith.constant 224 : index
        %parallel_loop3A_184 = tpu.vector_load %arg14[%parallel_loop3A_182, %parallel_loop3A_183] {strides = array<i32>} : memref<32x256xf32, #tpu.memory_space<vmem>>, vector<16xf32>,
        %parallel_loop3A_185 = arith.constant 224 : i32
        %parallel_loop3A_186 = tpu.memref_slice %arg10[%parallel_loop3A_185] : memref<32768xf32, #tpu.memory_space<vmem>> -> memref<32544xf32, #tpu.memory_space<vmem>>
        tpu.vector_store_idx %parallel_loop3A_186[%parallel_loop3A_111], %parallel_loop3A_184 {add = true} : memref<32544xf32, #tpu.memory_space<vmem>>[vector<16xi32>], vector<16xf32>,
        %parallel_loop3A_187 = arith.index_cast %parallel_loop3A_105 : i32 to index
        %parallel_loop3A_188 = arith.constant 240 : index
        %parallel_loop3A_189 = tpu.vector_load %arg14[%parallel_loop3A_187, %parallel_loop3A_188] {strides = array<i32>} : memref<32x256xf32, #tpu.memory_space<vmem>>, vector<16xf32>,
        %parallel_loop3A_190 = arith.constant 240 : i32
        %parallel_loop3A_191 = tpu.memref_slice %arg10[%parallel_loop3A_190] : memref<32768xf32, #tpu.memory_space<vmem>> -> memref<32528xf32, #tpu.memory_space<vmem>>
        tpu.vector_store_idx %parallel_loop3A_191[%parallel_loop3A_111], %parallel_loop3A_189 {add = true} : memref<32528xf32, #tpu.memory_space<vmem>>[vector<16xi32>], vector<16xf32>,
      } {sc.loop_unroll_factor = 2 : i64, sc.parallel_access}
      %parallel_loop3A_102 = arith.constant 0 : i32
      %parallel_loop3A_103 = arith.constant 32 : i32
      %parallel_loop3A_104 = arith.constant 1 : i32
      scf.for %parallel_loop3A_105 = %parallel_loop3A_102 to %parallel_loop3A_103 step %parallel_loop3A_104  : i32 {
        %parallel_loop3A_106 = arith.constant 32 : i32
        %parallel_loop3A_107 = arith.muli %add3A_98, %parallel_loop3A_106 : i32
        %parallel_loop3A_108 = arith.addi %parallel_loop3A_107, %parallel_loop3A_105 : i32
        %parallel_loop3A_109 = vector.broadcast %parallel_loop3A_108 : i32 to vector<16xi32>
        %parallel_loop3A_110 = tpu.vector_load_idx %arg19[%parallel_loop3A_109] : memref<2048xi32, #tpu.memory_space<vmem>>[vector<16xi32>], vector<16xi32>,
        %parallel_loop3A_111 = arith.addi %parallel_loop3A_110, %iota3A : vector<16xi32>
        %parallel_loop3A_112 = arith.index_cast %parallel_loop3A_105 : i32 to index
        %parallel_loop3A_113 = arith.constant 0 : index
        %parallel_loop3A_114 = tpu.vector_load %arg16[%parallel_loop3A_112, %parallel_loop3A_113] {strides = array<i32>} : memref<32x256xf32, #tpu.memory_space<vmem>>, vector<16xf32>,
        %parallel_loop3A_115 = arith.constant 0 : i32
        %parallel_loop3A_116 = tpu.memref_slice %arg11[%parallel_loop3A_115] : memref<32768xf32, #tpu.memory_space<vmem>> -> memref<32768xf32, #tpu.memory_space<vmem>>
        tpu.vector_store_idx %parallel_loop3A_116[%parallel_loop3A_111], %parallel_loop3A_114 {add = true} : memref<32768xf32, #tpu.memory_space<vmem>>[vector<16xi32>], vector<16xf32>,
        %parallel_loop3A_117 = arith.index_cast %parallel_loop3A_105 : i32 to index
        %parallel_loop3A_118 = arith.constant 16 : index
        %parallel_loop3A_119 = tpu.vector_load %arg16[%parallel_loop3A_117, %parallel_loop3A_118] {strides = array<i32>} : memref<32x256xf32, #tpu.memory_space<vmem>>, vector<16xf32>,
        %parallel_loop3A_120 = arith.constant 16 : i32
        %parallel_loop3A_121 = tpu.memref_slice %arg11[%parallel_loop3A_120] : memref<32768xf32, #tpu.memory_space<vmem>> -> memref<32752xf32, #tpu.memory_space<vmem>>
        tpu.vector_store_idx %parallel_loop3A_121[%parallel_loop3A_111], %parallel_loop3A_119 {add = true} : memref<32752xf32, #tpu.memory_space<vmem>>[vector<16xi32>], vector<16xf32>,
        %parallel_loop3A_122 = arith.index_cast %parallel_loop3A_105 : i32 to index
        %parallel_loop3A_123 = arith.constant 32 : index
        %parallel_loop3A_124 = tpu.vector_load %arg16[%parallel_loop3A_122, %parallel_loop3A_123] {strides = array<i32>} : memref<32x256xf32, #tpu.memory_space<vmem>>, vector<16xf32>,
        %parallel_loop3A_125 = arith.constant 32 : i32
        %parallel_loop3A_126 = tpu.memref_slice %arg11[%parallel_loop3A_125] : memref<32768xf32, #tpu.memory_space<vmem>> -> memref<32736xf32, #tpu.memory_space<vmem>>
        tpu.vector_store_idx %parallel_loop3A_126[%parallel_loop3A_111], %parallel_loop3A_124 {add = true} : memref<32736xf32, #tpu.memory_space<vmem>>[vector<16xi32>], vector<16xf32>,
        %parallel_loop3A_127 = arith.index_cast %parallel_loop3A_105 : i32 to index
        %parallel_loop3A_128 = arith.constant 48 : index
        %parallel_loop3A_129 = tpu.vector_load %arg16[%parallel_loop3A_127, %parallel_loop3A_128] {strides = array<i32>} : memref<32x256xf32, #tpu.memory_space<vmem>>, vector<16xf32>,
        %parallel_loop3A_130 = arith.constant 48 : i32
        %parallel_loop3A_131 = tpu.memref_slice %arg11[%parallel_loop3A_130] : memref<32768xf32, #tpu.memory_space<vmem>> -> memref<32720xf32, #tpu.memory_space<vmem>>
        tpu.vector_store_idx %parallel_loop3A_131[%parallel_loop3A_111], %parallel_loop3A_129 {add = true} : memref<32720xf32, #tpu.memory_space<vmem>>[vector<16xi32>], vector<16xf32>,
        %parallel_loop3A_132 = arith.index_cast %parallel_loop3A_105 : i32 to index
        %parallel_loop3A_133 = arith.constant 64 : index
        %parallel_loop3A_134 = tpu.vector_load %arg16[%parallel_loop3A_132, %parallel_loop3A_133] {strides = array<i32>} : memref<32x256xf32, #tpu.memory_space<vmem>>, vector<16xf32>,
        %parallel_loop3A_135 = arith.constant 64 : i32
        %parallel_loop3A_136 = tpu.memref_slice %arg11[%parallel_loop3A_135] : memref<32768xf32, #tpu.memory_space<vmem>> -> memref<32704xf32, #tpu.memory_space<vmem>>
        tpu.vector_store_idx %parallel_loop3A_136[%parallel_loop3A_111], %parallel_loop3A_134 {add = true} : memref<32704xf32, #tpu.memory_space<vmem>>[vector<16xi32>], vector<16xf32>,
        %parallel_loop3A_137 = arith.index_cast %parallel_loop3A_105 : i32 to index
        %parallel_loop3A_138 = arith.constant 80 : index
        %parallel_loop3A_139 = tpu.vector_load %arg16[%parallel_loop3A_137, %parallel_loop3A_138] {strides = array<i32>} : memref<32x256xf32, #tpu.memory_space<vmem>>, vector<16xf32>,
        %parallel_loop3A_140 = arith.constant 80 : i32
        %parallel_loop3A_141 = tpu.memref_slice %arg11[%parallel_loop3A_140] : memref<32768xf32, #tpu.memory_space<vmem>> -> memref<32688xf32, #tpu.memory_space<vmem>>
        tpu.vector_store_idx %parallel_loop3A_141[%parallel_loop3A_111], %parallel_loop3A_139 {add = true} : memref<32688xf32, #tpu.memory_space<vmem>>[vector<16xi32>], vector<16xf32>,
        %parallel_loop3A_142 = arith.index_cast %parallel_loop3A_105 : i32 to index
        %parallel_loop3A_143 = arith.constant 96 : index
        %parallel_loop3A_144 = tpu.vector_load %arg16[%parallel_loop3A_142, %parallel_loop3A_143] {strides = array<i32>} : memref<32x256xf32, #tpu.memory_space<vmem>>, vector<16xf32>,
        %parallel_loop3A_145 = arith.constant 96 : i32
        %parallel_loop3A_146 = tpu.memref_slice %arg11[%parallel_loop3A_145] : memref<32768xf32, #tpu.memory_space<vmem>> -> memref<32672xf32, #tpu.memory_space<vmem>>
        tpu.vector_store_idx %parallel_loop3A_146[%parallel_loop3A_111], %parallel_loop3A_144 {add = true} : memref<32672xf32, #tpu.memory_space<vmem>>[vector<16xi32>], vector<16xf32>,
        %parallel_loop3A_147 = arith.index_cast %parallel_loop3A_105 : i32 to index
        %parallel_loop3A_148 = arith.constant 112 : index
        %parallel_loop3A_149 = tpu.vector_load %arg16[%parallel_loop3A_147, %parallel_loop3A_148] {strides = array<i32>} : memref<32x256xf32, #tpu.memory_space<vmem>>, vector<16xf32>,
        %parallel_loop3A_150 = arith.constant 112 : i32
        %parallel_loop3A_151 = tpu.memref_slice %arg11[%parallel_loop3A_150] : memref<32768xf32, #tpu.memory_space<vmem>> -> memref<32656xf32, #tpu.memory_space<vmem>>
        tpu.vector_store_idx %parallel_loop3A_151[%parallel_loop3A_111], %parallel_loop3A_149 {add = true} : memref<32656xf32, #tpu.memory_space<vmem>>[vector<16xi32>], vector<16xf32>,
        %parallel_loop3A_152 = arith.index_cast %parallel_loop3A_105 : i32 to index
        %parallel_loop3A_153 = arith.constant 128 : index
        %parallel_loop3A_154 = tpu.vector_load %arg16[%parallel_loop3A_152, %parallel_loop3A_153] {strides = array<i32>} : memref<32x256xf32, #tpu.memory_space<vmem>>, vector<16xf32>,
        %parallel_loop3A_155 = arith.constant 128 : i32
        %parallel_loop3A_156 = tpu.memref_slice %arg11[%parallel_loop3A_155] : memref<32768xf32, #tpu.memory_space<vmem>> -> memref<32640xf32, #tpu.memory_space<vmem>>
        tpu.vector_store_idx %parallel_loop3A_156[%parallel_loop3A_111], %parallel_loop3A_154 {add = true} : memref<32640xf32, #tpu.memory_space<vmem>>[vector<16xi32>], vector<16xf32>,
        %parallel_loop3A_157 = arith.index_cast %parallel_loop3A_105 : i32 to index
        %parallel_loop3A_158 = arith.constant 144 : index
        %parallel_loop3A_159 = tpu.vector_load %arg16[%parallel_loop3A_157, %parallel_loop3A_158] {strides = array<i32>} : memref<32x256xf32, #tpu.memory_space<vmem>>, vector<16xf32>,
        %parallel_loop3A_160 = arith.constant 144 : i32
        %parallel_loop3A_161 = tpu.memref_slice %arg11[%parallel_loop3A_160] : memref<32768xf32, #tpu.memory_space<vmem>> -> memref<32624xf32, #tpu.memory_space<vmem>>
        tpu.vector_store_idx %parallel_loop3A_161[%parallel_loop3A_111], %parallel_loop3A_159 {add = true} : memref<32624xf32, #tpu.memory_space<vmem>>[vector<16xi32>], vector<16xf32>,
        %parallel_loop3A_162 = arith.index_cast %parallel_loop3A_105 : i32 to index
        %parallel_loop3A_163 = arith.constant 160 : index
        %parallel_loop3A_164 = tpu.vector_load %arg16[%parallel_loop3A_162, %parallel_loop3A_163] {strides = array<i32>} : memref<32x256xf32, #tpu.memory_space<vmem>>, vector<16xf32>,
        %parallel_loop3A_165 = arith.constant 160 : i32
        %parallel_loop3A_166 = tpu.memref_slice %arg11[%parallel_loop3A_165] : memref<32768xf32, #tpu.memory_space<vmem>> -> memref<32608xf32, #tpu.memory_space<vmem>>
        tpu.vector_store_idx %parallel_loop3A_166[%parallel_loop3A_111], %parallel_loop3A_164 {add = true} : memref<32608xf32, #tpu.memory_space<vmem>>[vector<16xi32>], vector<16xf32>,
        %parallel_loop3A_167 = arith.index_cast %parallel_loop3A_105 : i32 to index
        %parallel_loop3A_168 = arith.constant 176 : index
        %parallel_loop3A_169 = tpu.vector_load %arg16[%parallel_loop3A_167, %parallel_loop3A_168] {strides = array<i32>} : memref<32x256xf32, #tpu.memory_space<vmem>>, vector<16xf32>,
        %parallel_loop3A_170 = arith.constant 176 : i32
        %parallel_loop3A_171 = tpu.memref_slice %arg11[%parallel_loop3A_170] : memref<32768xf32, #tpu.memory_space<vmem>> -> memref<32592xf32, #tpu.memory_space<vmem>>
        tpu.vector_store_idx %parallel_loop3A_171[%parallel_loop3A_111], %parallel_loop3A_169 {add = true} : memref<32592xf32, #tpu.memory_space<vmem>>[vector<16xi32>], vector<16xf32>,
        %parallel_loop3A_172 = arith.index_cast %parallel_loop3A_105 : i32 to index
        %parallel_loop3A_173 = arith.constant 192 : index
        %parallel_loop3A_174 = tpu.vector_load %arg16[%parallel_loop3A_172, %parallel_loop3A_173] {strides = array<i32>} : memref<32x256xf32, #tpu.memory_space<vmem>>, vector<16xf32>,
        %parallel_loop3A_175 = arith.constant 192 : i32
        %parallel_loop3A_176 = tpu.memref_slice %arg11[%parallel_loop3A_175] : memref<32768xf32, #tpu.memory_space<vmem>> -> memref<32576xf32, #tpu.memory_space<vmem>>
        tpu.vector_store_idx %parallel_loop3A_176[%parallel_loop3A_111], %parallel_loop3A_174 {add = true} : memref<32576xf32, #tpu.memory_space<vmem>>[vector<16xi32>], vector<16xf32>,
        %parallel_loop3A_177 = arith.index_cast %parallel_loop3A_105 : i32 to index
        %parallel_loop3A_178 = arith.constant 208 : index
        %parallel_loop3A_179 = tpu.vector_load %arg16[%parallel_loop3A_177, %parallel_loop3A_178] {strides = array<i32>} : memref<32x256xf32, #tpu.memory_space<vmem>>, vector<16xf32>,
        %parallel_loop3A_180 = arith.constant 208 : i32
        %parallel_loop3A_181 = tpu.memref_slice %arg11[%parallel_loop3A_180] : memref<32768xf32, #tpu.memory_space<vmem>> -> memref<32560xf32, #tpu.memory_space<vmem>>
        tpu.vector_store_idx %parallel_loop3A_181[%parallel_loop3A_111], %parallel_loop3A_179 {add = true} : memref<32560xf32, #tpu.memory_space<vmem>>[vector<16xi32>], vector<16xf32>,
        %parallel_loop3A_182 = arith.index_cast %parallel_loop3A_105 : i32 to index
        %parallel_loop3A_183 = arith.constant 224 : index
        %parallel_loop3A_184 = tpu.vector_load %arg16[%parallel_loop3A_182, %parallel_loop3A_183] {strides = array<i32>} : memref<32x256xf32, #tpu.memory_space<vmem>>, vector<16xf32>,
        %parallel_loop3A_185 = arith.constant 224 : i32
        %parallel_loop3A_186 = tpu.memref_slice %arg11[%parallel_loop3A_185] : memref<32768xf32, #tpu.memory_space<vmem>> -> memref<32544xf32, #tpu.memory_space<vmem>>
        tpu.vector_store_idx %parallel_loop3A_186[%parallel_loop3A_111], %parallel_loop3A_184 {add = true} : memref<32544xf32, #tpu.memory_space<vmem>>[vector<16xi32>], vector<16xf32>,
        %parallel_loop3A_187 = arith.index_cast %parallel_loop3A_105 : i32 to index
        %parallel_loop3A_188 = arith.constant 240 : index
        %parallel_loop3A_189 = tpu.vector_load %arg16[%parallel_loop3A_187, %parallel_loop3A_188] {strides = array<i32>} : memref<32x256xf32, #tpu.memory_space<vmem>>, vector<16xf32>,
        %parallel_loop3A_190 = arith.constant 240 : i32
        %parallel_loop3A_191 = tpu.memref_slice %arg11[%parallel_loop3A_190] : memref<32768xf32, #tpu.memory_space<vmem>> -> memref<32528xf32, #tpu.memory_space<vmem>>
        tpu.vector_store_idx %parallel_loop3A_191[%parallel_loop3A_111], %parallel_loop3A_189 {add = true} : memref<32528xf32, #tpu.memory_space<vmem>>[vector<16xi32>], vector<16xf32>,
      } {sc.loop_unroll_factor = 2 : i64, sc.parallel_access}
    }
    %scan3A_45 = arith.constant 32 : i32
    "tpu.region"() ({
      %run_scoped3A = tpu.sem_alloc : memref<!tpu.dma_semaphore, #tpu.memory_space<semaphore_mem>>
      %dma_start3A_46 = arith.constant 0 : i32
      %dma_start3A_47 = tpu.memref_slice %arg7[%add3A, %dma_start3A_46] : memref<32x32768xf32, #tpu.memory_space<hbm>> -> memref<1x32768xf32, #tpu.memory_space<hbm>>
      %dma_start3A_48 = tpu.memref_squeeze %dma_start3A_47 : memref<1x32768xf32, #tpu.memory_space<hbm>> -> memref<32768xf32, #tpu.memory_space<hbm>>
      %dma_start3A_49 = arith.constant 0 : i32
      %dma_start3A_50 = tpu.memref_slice %arg7[%add3A, %dma_start3A_49] : memref<32x32768xf32, #tpu.memory_space<hbm>> -> memref<1x32768xf32, #tpu.memory_space<hbm>>
      %dma_start3A_51 = tpu.memref_squeeze %dma_start3A_50 : memref<1x32768xf32, #tpu.memory_space<hbm>> -> memref<32768xf32, #tpu.memory_space<hbm>>
      tpu.enqueue_dma source(%arg10 : memref<32768xf32, #tpu.memory_space<vmem>>) target(%dma_start3A_51 : memref<32768xf32, #tpu.memory_space<hbm>>) target_semaphore(%run_scoped3A : memref<!tpu.dma_semaphore, #tpu.memory_space<semaphore_mem>>)
      %dma_wait3A_52 = arith.constant 0 : i32
      %dma_wait3A_53 = tpu.memref_slice %arg7[%add3A, %dma_wait3A_52] : memref<32x32768xf32, #tpu.memory_space<hbm>> -> memref<1x32768xf32, #tpu.memory_space<hbm>>
      %dma_wait3A_54 = tpu.memref_squeeze %dma_wait3A_53 : memref<1x32768xf32, #tpu.memory_space<hbm>> -> memref<32768xf32, #tpu.memory_space<hbm>>
      %dma_wait3A_55 = arith.constant 0 : i32
      %dma_wait3A_56 = tpu.memref_slice %arg7[%add3A, %dma_wait3A_55] : memref<32x32768xf32, #tpu.memory_space<hbm>> -> memref<1x32768xf32, #tpu.memory_space<hbm>>
      %dma_wait3A_57 = tpu.memref_squeeze %dma_wait3A_56 : memref<1x32768xf32, #tpu.memory_space<hbm>> -> memref<32768xf32, #tpu.memory_space<hbm>>
      tpu.wait_dma2 semaphore(%run_scoped3A : memref<!tpu.dma_semaphore, #tpu.memory_space<semaphore_mem>>) src(%arg10 : memref<32768xf32, #tpu.memory_space<vmem>>) dst(%dma_wait3A_57 : memref<32768xf32, #tpu.memory_space<hbm>>)
      tpu.yield
    }) : () -> ()
    "tpu.region"() ({
      %run_scoped3A = tpu.sem_alloc : memref<!tpu.dma_semaphore, #tpu.memory_space<semaphore_mem>>
      %dma_start3A_46 = arith.constant 0 : i32
      %dma_start3A_47 = tpu.memref_slice %arg8[%add3A, %dma_start3A_46] : memref<32x32768xf32, #tpu.memory_space<hbm>> -> memref<1x32768xf32, #tpu.memory_space<hbm>>
      %dma_start3A_48 = tpu.memref_squeeze %dma_start3A_47 : memref<1x32768xf32, #tpu.memory_space<hbm>> -> memref<32768xf32, #tpu.memory_space<hbm>>
      %dma_start3A_49 = arith.constant 0 : i32
      %dma_start3A_50 = tpu.memref_slice %arg8[%add3A, %dma_start3A_49] : memref<32x32768xf32, #tpu.memory_space<hbm>> -> memref<1x32768xf32, #tpu.memory_space<hbm>>
      %dma_start3A_51 = tpu.memref_squeeze %dma_start3A_50 : memref<1x32768xf32, #tpu.memory_space<hbm>> -> memref<32768xf32, #tpu.memory_space<hbm>>
      tpu.enqueue_dma source(%arg11 : memref<32768xf32, #tpu.memory_space<vmem>>) target(%dma_start3A_51 : memref<32768xf32, #tpu.memory_space<hbm>>) target_semaphore(%run_scoped3A : memref<!tpu.dma_semaphore, #tpu.memory_space<semaphore_mem>>)
      %dma_wait3A_52 = arith.constant 0 : i32
      %dma_wait3A_53 = tpu.memref_slice %arg8[%add3A, %dma_wait3A_52] : memref<32x32768xf32, #tpu.memory_space<hbm>> -> memref<1x32768xf32, #tpu.memory_space<hbm>>
      %dma_wait3A_54 = tpu.memref_squeeze %dma_wait3A_53 : memref<1x32768xf32, #tpu.memory_space<hbm>> -> memref<32768xf32, #tpu.memory_space<hbm>>
      %dma_wait3A_55 = arith.constant 0 : i32
      %dma_wait3A_56 = tpu.memref_slice %arg8[%add3A, %dma_wait3A_55] : memref<32x32768xf32, #tpu.memory_space<hbm>> -> memref<1x32768xf32, #tpu.memory_space<hbm>>
      %dma_wait3A_57 = tpu.memref_squeeze %dma_wait3A_56 : memref<1x32768xf32, #tpu.memory_space<hbm>> -> memref<32768xf32, #tpu.memory_space<hbm>>
      tpu.wait_dma2 semaphore(%run_scoped3A : memref<!tpu.dma_semaphore, #tpu.memory_space<semaphore_mem>>) src(%arg11 : memref<32768xf32, #tpu.memory_space<vmem>>) dst(%dma_wait3A_57 : memref<32768xf32, #tpu.memory_space<hbm>>)
      tpu.yield
    }) : () -> ()
    "tpu.region"() ({
      %run_scoped3A = tpu.sem_alloc : memref<!tpu.dma_semaphore, #tpu.memory_space<semaphore_mem>>
      %dma_start3A_46 = arith.constant 0 : i32
      %dma_start3A_47 = tpu.memref_slice %arg9[%add3A, %dma_start3A_46] : memref<32x128xf32, #tpu.memory_space<hbm>> -> memref<1x128xf32, #tpu.memory_space<hbm>>
      %dma_start3A_48 = tpu.memref_squeeze %dma_start3A_47 : memref<1x128xf32, #tpu.memory_space<hbm>> -> memref<128xf32, #tpu.memory_space<hbm>>
      %dma_start3A_49 = arith.constant 0 : i32
      %dma_start3A_50 = tpu.memref_slice %arg9[%add3A, %dma_start3A_49] : memref<32x128xf32, #tpu.memory_space<hbm>> -> memref<1x128xf32, #tpu.memory_space<hbm>>
      %dma_start3A_51 = tpu.memref_squeeze %dma_start3A_50 : memref<1x128xf32, #tpu.memory_space<hbm>> -> memref<128xf32, #tpu.memory_space<hbm>>
      tpu.enqueue_dma source(%arg12 : memref<128xf32, #tpu.memory_space<vmem>>) target(%dma_start3A_51 : memref<128xf32, #tpu.memory_space<hbm>>) target_semaphore(%run_scoped3A : memref<!tpu.dma_semaphore, #tpu.memory_space<semaphore_mem>>)
      %dma_wait3A_52 = arith.constant 0 : i32
      %dma_wait3A_53 = tpu.memref_slice %arg9[%add3A, %dma_wait3A_52] : memref<32x128xf32, #tpu.memory_space<hbm>> -> memref<1x128xf32, #tpu.memory_space<hbm>>
      %dma_wait3A_54 = tpu.memref_squeeze %dma_wait3A_53 : memref<1x128xf32, #tpu.memory_space<hbm>> -> memref<128xf32, #tpu.memory_space<hbm>>
      %dma_wait3A_55 = arith.constant 0 : i32
      %dma_wait3A_56 = tpu.memref_slice %arg9[%add3A, %dma_wait3A_55] : memref<32x128xf32, #tpu.memory_space<hbm>> -> memref<1x128xf32, #tpu.memory_space<hbm>>
      %dma_wait3A_57 = tpu.memref_squeeze %dma_wait3A_56 : memref<1x128xf32, #tpu.memory_space<hbm>> -> memref<128xf32, #tpu.memory_space<hbm>>
      tpu.wait_dma2 semaphore(%run_scoped3A : memref<!tpu.dma_semaphore, #tpu.memory_space<semaphore_mem>>) src(%arg12 : memref<128xf32, #tpu.memory_space<vmem>>) dst(%dma_wait3A_57 : memref<128xf32, #tpu.memory_space<hbm>>)
      tpu.yield
    }) : () -> ()
    return
  }
}

module attributes {stable_mosaic.version = 14 : i64} {
  func.func @_tc_body(%arg0: memref<32x128x256xf32, #tpu.memory_space<vmem>>, %arg1: memref<32x128x256xf32, #tpu.memory_space<vmem>>, %arg2: memref<32x128xf32, #tpu.memory_space<vmem>>, %arg3: memref<1x1xf32, #tpu.memory_space<vmem>>) attributes {dimension_semantics = [], scalar_prefetch = 0 : i64, scratch_operands = 0 : i64, tpu.core_type = #tpu.core_type<tc>} {
    %get3A = arith.constant 0 : index
    %get3A_0 = arith.constant 0 : index
    %get3A_1 = arith.constant 0 : index
    %get3A_2 = vector.load %arg0[%get3A, %get3A_0, %get3A_1] : memref<32x128x256xf32, #tpu.memory_space<vmem>>, vector<32x128x256xf32>
    %reduce_sum3A = arith.constant dense<0.000000e+00> : vector<128x256xf32>
    %reduce_sum3A_3 = vector.multi_reduction <add>, %get3A_2, %reduce_sum3A [0] : vector<32x128x256xf32> to vector<128x256xf32>
    %get3A_4 = arith.constant 0 : index
    %get3A_5 = arith.constant 0 : index
    %get3A_6 = arith.constant 0 : index
    %get3A_7 = vector.load %arg1[%get3A_4, %get3A_5, %get3A_6] : memref<32x128x256xf32, #tpu.memory_space<vmem>>, vector<32x128x256xf32>
    %reduce_sum3A_8 = arith.constant dense<0.000000e+00> : vector<128x256xf32>
    %reduce_sum3A_9 = vector.multi_reduction <add>, %get3A_7, %reduce_sum3A_8 [0] : vector<32x128x256xf32> to vector<128x256xf32>
    %get3A_10 = arith.constant 0 : index
    %get3A_11 = arith.constant 0 : index
    %get3A_12 = vector.load %arg2[%get3A_10, %get3A_11] : memref<32x128xf32, #tpu.memory_space<vmem>>, vector<32x128xf32>
    %reduce_sum3A_13 = arith.constant dense<0.000000e+00> : vector<128xf32>
    %reduce_sum3A_14 = vector.multi_reduction <add>, %get3A_12, %reduce_sum3A_13 [0] : vector<32x128xf32> to vector<128xf32>
    %gt3A = arith.constant 0.000000e+00 : f32
    %gt3A_15 = vector.broadcast %gt3A : f32 to vector<128xf32>
    %gt3A_16 = arith.cmpf ogt, %reduce_sum3A_14, %gt3A_15 : vector<128xf32>
    %convert_element_type3A = arith.extui %gt3A_16 : vector<128xi1> to vector<128xi32>
    %convert_element_type3A_17 = arith.sitofp %convert_element_type3A : vector<128xi32> to vector<128xf32>
    %reshape3A = vector.shape_cast %convert_element_type3A_17 : vector<128xf32> to vector<1x128xf32>
    %reduce_sum3A_18 = vector.shape_cast %reshape3A : vector<1x128xf32> to vector<1x1x128xf32>
    %reduce_sum3A_19 = arith.constant dense<0.000000e+00> : vector<1xf32>
    %reduce_sum3A_20 = vector.multi_reduction <add>, %reduce_sum3A_18, %reduce_sum3A_19 [1, 2] : vector<1x1x128xf32> to vector<1xf32>
    %reduce_sum3A_21 = vector.shape_cast %reduce_sum3A_20 : vector<1xf32> to vector<1x1x1xf32>
    %reduce_sum3A_22 = vector.extract %reduce_sum3A_21[0, 0, 0] : f32 from vector<1x1x1xf32>
    %broadcast_in_dim3A = vector.broadcast %reduce_sum3A_22 : f32 to vector<1x1xf32>
    %mul3A = arith.mulf %reduce_sum3A_3, %reduce_sum3A_3 : vector<128x256xf32>
    %reduce_sum3A_23 = arith.constant dense<0.000000e+00> : vector<128xf32>
    %reduce_sum3A_24 = vector.multi_reduction <add>, %mul3A, %reduce_sum3A_23 [1] : vector<128x256xf32> to vector<128xf32>
    %broadcast_in_dim3A_25 = vector.shape_cast %reduce_sum3A_24 : vector<128xf32> to vector<128x1xf32>
    %sqrt3A = math.sqrt %broadcast_in_dim3A_25 : vector<128x1xf32>
    %max3A = arith.constant 9.99999996E-13 : f32
    %max3A_26 = vector.broadcast %max3A : f32 to vector<128x1xf32>
    %max3A_27 = arith.maximumf %sqrt3A, %max3A_26 : vector<128x1xf32>
    %div3A = vector.broadcast %max3A_27 : vector<128x1xf32> to vector<128x256xf32>
    %div3A_28 = arith.divf %reduce_sum3A_3, %div3A : vector<128x256xf32>
    %mul3A_29 = arith.mulf %reduce_sum3A_9, %reduce_sum3A_9 : vector<128x256xf32>
    %reduce_sum3A_30 = arith.constant dense<0.000000e+00> : vector<128xf32>
    %reduce_sum3A_31 = vector.multi_reduction <add>, %mul3A_29, %reduce_sum3A_30 [1] : vector<128x256xf32> to vector<128xf32>
    %broadcast_in_dim3A_32 = vector.shape_cast %reduce_sum3A_31 : vector<128xf32> to vector<128x1xf32>
    %sqrt3A_33 = math.sqrt %broadcast_in_dim3A_32 : vector<128x1xf32>
    %max3A_34 = arith.constant 9.99999996E-13 : f32
    %max3A_35 = vector.broadcast %max3A_34 : f32 to vector<128x1xf32>
    %max3A_36 = arith.maximumf %sqrt3A_33, %max3A_35 : vector<128x1xf32>
    %div3A_37 = vector.broadcast %max3A_36 : vector<128x1xf32> to vector<128x256xf32>
    %div3A_38 = arith.divf %reduce_sum3A_9, %div3A_37 : vector<128x256xf32>
    %dot_general3A = arith.constant dense<0.000000e+00> : vector<128x128xf32>
    %dot_general3A_39 = tpu.matmul %div3A_28, %div3A_38, %dot_general3A {dimension_numbers = #tpu.dot_dimension_numbers<[1], [1], [0], [0], [0, 0, 1, 0], [], []>, transpose_lhs_hint = false} : vector<128x256xf32>, vector<128x256xf32>, vector<128x128xf32> -> vector<128x128xf32>
    %dot_general3A_40 = arith.constant dense<0.000000e+00> : vector<128x128xf32>
    %dot_general3A_41 = tpu.matmul %div3A_38, %div3A_28, %dot_general3A_40 {dimension_numbers = #tpu.dot_dimension_numbers<[1], [1], [0], [0], [0, 0, 1, 0], [], []>, transpose_lhs_hint = false} : vector<128x256xf32>, vector<128x256xf32>, vector<128x128xf32> -> vector<128x128xf32>
    %iota3A = tpu.iota {dimensions = array<i32: 0>} : vector<128x128xi32>
    %iota3A_42 = tpu.iota {dimensions = array<i32: 1>} : vector<128x128xi32>
    %eq3A = arith.cmpi eq, %iota3A, %iota3A_42 : vector<128x128xi32>
    %gt3A_43 = arith.constant 0.000000e+00 : f32
    %gt3A_44 = vector.broadcast %gt3A_43 : f32 to vector<1x128xf32>
    %gt3A_45 = arith.cmpf ogt, %reshape3A, %gt3A_44 : vector<1x128xf32>
    %and3A = vector.broadcast %gt3A_45 : vector<1x128xi1> to vector<128x128xi1>
    %and3A_46 = arith.andi %eq3A, %and3A : vector<128x128xi1>
    %gt3A_47 = arith.constant 0.000000e+00 : f32
    %gt3A_48 = vector.broadcast %gt3A_47 : f32 to vector<1x128xf32>
    %gt3A_49 = arith.cmpf ogt, %reshape3A, %gt3A_48 : vector<1x128xf32>
    %jit3A = arith.constant -1.000000e+30 : f32
    %broadcast_in_dim3A_50 = vector.shape_cast %gt3A_49 : vector<1x128xi1> to vector<1x128xi1>
    %broadcast_in_dim3A_51 = vector.broadcast %broadcast_in_dim3A_50 : vector<1x128xi1> to vector<128x128xi1>
    %broadcast_in_dim3A_52 = vector.broadcast %jit3A : f32 to vector<128x128xf32>
    %select_n3A = arith.select %broadcast_in_dim3A_51, %dot_general3A_39, %broadcast_in_dim3A_52 : vector<128x128xi1>, vector<128x128xf32>
    %reduce_max3A = arith.constant dense<0xFF800000> : vector<128xf32>
    %reduce_max3A_53 = vector.multi_reduction <maximumf>, %select_n3A, %reduce_max3A [1] : vector<128x128xf32> to vector<128xf32>
    %broadcast_in_dim3A_54 = vector.shape_cast %reduce_max3A_53 : vector<128xf32> to vector<128x1xf32>
    %sub3A = vector.broadcast %broadcast_in_dim3A_54 : vector<128x1xf32> to vector<128x128xf32>
    %sub3A_55 = arith.subf %select_n3A, %sub3A : vector<128x128xf32>
    %exp3A = math.exp %sub3A_55 : vector<128x128xf32>
    %reduce_sum3A_56 = arith.constant dense<0.000000e+00> : vector<128xf32>
    %reduce_sum3A_57 = vector.multi_reduction <add>, %exp3A, %reduce_sum3A_56 [1] : vector<128x128xf32> to vector<128xf32>
    %broadcast_in_dim3A_58 = vector.shape_cast %reduce_sum3A_57 : vector<128xf32> to vector<128x1xf32>
    %log3A = math.log %broadcast_in_dim3A_58 : vector<128x1xf32>
    %add3A = arith.addf %log3A, %broadcast_in_dim3A_54 : vector<128x1xf32>
    %sub3A_59 = vector.broadcast %add3A : vector<128x1xf32> to vector<128x128xf32>
    %sub3A_60 = arith.subf %select_n3A, %sub3A_59 : vector<128x128xf32>
    %jit3A_61 = arith.constant 0.000000e+00 : f32
    %broadcast_in_dim3A_62 = vector.broadcast %jit3A_61 : f32 to vector<128x128xf32>
    %select_n3A_63 = arith.select %and3A_46, %sub3A_60, %broadcast_in_dim3A_62 : vector<128x128xi1>, vector<128x128xf32>
    %reduce_sum3A_64 = vector.shape_cast %select_n3A_63 : vector<128x128xf32> to vector<1x128x128xf32>
    %reduce_sum3A_65 = arith.constant dense<0.000000e+00> : vector<1xf32>
    %reduce_sum3A_66 = vector.multi_reduction <add>, %reduce_sum3A_64, %reduce_sum3A_65 [1, 2] : vector<1x128x128xf32> to vector<1xf32>
    %reduce_sum3A_67 = vector.shape_cast %reduce_sum3A_66 : vector<1xf32> to vector<1x1x1xf32>
    %reduce_sum3A_68 = vector.extract %reduce_sum3A_67[0, 0, 0] : f32 from vector<1x1x1xf32>
    %broadcast_in_dim3A_69 = vector.broadcast %reduce_sum3A_68 : f32 to vector<1x1xf32>
    %neg3A = arith.constant 0.000000e+00 : f32
    %neg3A_70 = vector.broadcast %neg3A : f32 to vector<1x1xf32>
    %neg3A_71 = arith.subf %neg3A_70, %broadcast_in_dim3A_69 : vector<1x1xf32>
    %max3A_72 = arith.constant 1.000000e+00 : f32
    %max3A_73 = vector.broadcast %max3A_72 : f32 to vector<1x1xf32>
    %max3A_74 = arith.maximumf %broadcast_in_dim3A, %max3A_73 : vector<1x1xf32>
    %div3A_75 = arith.divf %neg3A_71, %max3A_74 : vector<1x1xf32>
    %mul3A_76 = arith.constant 5.000000e-01 : f32
    %mul3A_77 = vector.broadcast %mul3A_76 : f32 to vector<1x1xf32>
    %mul3A_78 = arith.mulf %mul3A_77, %div3A_75 : vector<1x1xf32>
    %gt3A_79 = arith.constant 0.000000e+00 : f32
    %gt3A_80 = vector.broadcast %gt3A_79 : f32 to vector<1x128xf32>
    %gt3A_81 = arith.cmpf ogt, %reshape3A, %gt3A_80 : vector<1x128xf32>
    %jit3A_82 = arith.constant -1.000000e+30 : f32
    %broadcast_in_dim3A_83 = vector.shape_cast %gt3A_81 : vector<1x128xi1> to vector<1x128xi1>
    %broadcast_in_dim3A_84 = vector.broadcast %broadcast_in_dim3A_83 : vector<1x128xi1> to vector<128x128xi1>
    %broadcast_in_dim3A_85 = vector.broadcast %jit3A_82 : f32 to vector<128x128xf32>
    %select_n3A_86 = arith.select %broadcast_in_dim3A_84, %dot_general3A_41, %broadcast_in_dim3A_85 : vector<128x128xi1>, vector<128x128xf32>
    %reduce_max3A_87 = arith.constant dense<0xFF800000> : vector<128xf32>
    %reduce_max3A_88 = vector.multi_reduction <maximumf>, %select_n3A_86, %reduce_max3A_87 [1] : vector<128x128xf32> to vector<128xf32>
    %broadcast_in_dim3A_89 = vector.shape_cast %reduce_max3A_88 : vector<128xf32> to vector<128x1xf32>
    %sub3A_90 = vector.broadcast %broadcast_in_dim3A_89 : vector<128x1xf32> to vector<128x128xf32>
    %sub3A_91 = arith.subf %select_n3A_86, %sub3A_90 : vector<128x128xf32>
    %exp3A_92 = math.exp %sub3A_91 : vector<128x128xf32>
    %reduce_sum3A_93 = arith.constant dense<0.000000e+00> : vector<128xf32>
    %reduce_sum3A_94 = vector.multi_reduction <add>, %exp3A_92, %reduce_sum3A_93 [1] : vector<128x128xf32> to vector<128xf32>
    %broadcast_in_dim3A_95 = vector.shape_cast %reduce_sum3A_94 : vector<128xf32> to vector<128x1xf32>
    %log3A_96 = math.log %broadcast_in_dim3A_95 : vector<128x1xf32>
    %add3A_97 = arith.addf %log3A_96, %broadcast_in_dim3A_89 : vector<128x1xf32>
    %sub3A_98 = vector.broadcast %add3A_97 : vector<128x1xf32> to vector<128x128xf32>
    %sub3A_99 = arith.subf %select_n3A_86, %sub3A_98 : vector<128x128xf32>
    %jit3A_100 = arith.constant 0.000000e+00 : f32
    %broadcast_in_dim3A_101 = vector.broadcast %jit3A_100 : f32 to vector<128x128xf32>
    %select_n3A_102 = arith.select %and3A_46, %sub3A_99, %broadcast_in_dim3A_101 : vector<128x128xi1>, vector<128x128xf32>
    %reduce_sum3A_103 = vector.shape_cast %select_n3A_102 : vector<128x128xf32> to vector<1x128x128xf32>
    %reduce_sum3A_104 = arith.constant dense<0.000000e+00> : vector<1xf32>
    %reduce_sum3A_105 = vector.multi_reduction <add>, %reduce_sum3A_103, %reduce_sum3A_104 [1, 2] : vector<1x128x128xf32> to vector<1xf32>
    %reduce_sum3A_106 = vector.shape_cast %reduce_sum3A_105 : vector<1xf32> to vector<1x1x1xf32>
    %reduce_sum3A_107 = vector.extract %reduce_sum3A_106[0, 0, 0] : f32 from vector<1x1x1xf32>
    %broadcast_in_dim3A_108 = vector.broadcast %reduce_sum3A_107 : f32 to vector<1x1xf32>
    %neg3A_109 = arith.constant 0.000000e+00 : f32
    %neg3A_110 = vector.broadcast %neg3A_109 : f32 to vector<1x1xf32>
    %neg3A_111 = arith.subf %neg3A_110, %broadcast_in_dim3A_108 : vector<1x1xf32>
    %max3A_112 = arith.constant 1.000000e+00 : f32
    %max3A_113 = vector.broadcast %max3A_112 : f32 to vector<1x1xf32>
    %max3A_114 = arith.maximumf %broadcast_in_dim3A, %max3A_113 : vector<1x1xf32>
    %div3A_115 = arith.divf %neg3A_111, %max3A_114 : vector<1x1xf32>
    %mul3A_116 = arith.constant 5.000000e-01 : f32
    %mul3A_117 = vector.broadcast %mul3A_116 : f32 to vector<1x1xf32>
    %mul3A_118 = arith.mulf %mul3A_117, %div3A_115 : vector<1x1xf32>
    %add3A_119 = arith.addf %mul3A_78, %mul3A_118 : vector<1x1xf32>
    %ge3A = arith.constant 2.000000e+00 : f32
    %ge3A_120 = vector.broadcast %ge3A : f32 to vector<1x1xf32>
    %ge3A_121 = arith.cmpf oge, %broadcast_in_dim3A, %ge3A_120 : vector<1x1xf32>
    %broadcast_in_dim3A_122 = arith.constant 0.000000e+00 : f32
    %broadcast_in_dim3A_123 = vector.broadcast %broadcast_in_dim3A_122 : f32 to vector<1x1xf32>
    %select_n3A_124 = arith.select %ge3A_121, %add3A_119, %broadcast_in_dim3A_123 : vector<1x1xi1>, vector<1x1xf32>
    %swap3A = arith.constant 0 : index
    %swap3A_125 = arith.constant 0 : index
    %swap3A_126 = vector.load %arg3[%swap3A, %swap3A_125] : memref<1x1xf32, #tpu.memory_space<vmem>>, vector<1x1xf32>
    tpu.vector_store %arg3[%swap3A, %swap3A_125], %select_n3A_124 {strides = array<i32>} : memref<1x1xf32, #tpu.memory_space<vmem>>, vector<1x1xf32>,
    return
  }
}

</mosaic_0001>

<sc_bundles>
// kernel: kernel.4.cloned.1.call-start
scs
__scs_entry_jumppad:
0x0: {  	(pc) =	sbr.rel $0x88, $3  }
0x1: {  	(tag) =	ssettag $0x0;
	lr =	simm.s32 $0x1  }
0x2: {  	[smem:$0x3F9D] =	sst lr;
	_ =	strace $0xD0000000  }
0x3: {  	_ = 	snop  }
0x4: {  	_ = 	snop  }
0x5: {  	_ = 	snop  }
0x6: {  	_ = 	snop  }
0x7: {  	_ = 	snop  }
__scs_overlays_trampoline_lowered:
0x8: {  	[smem:$0x3FAC] =	sst s0  }
0x9: {  	[smem:$0x3FAD] =	sst s1  }
0xa: {  	[smem:$0x3FAE] =	sst s2  }
0xb: {  	[smem:$0x3FAF] =	sst s3  }
0xc: {  	[smem:$0x3FB0] =	sst s4  }
0xd: {  	[smem:$0x3FB1] =	sst s5  }
0xe: {  	[smem:$0x3FB2] =	sst s6  }
0xf: {  	[smem:$0x3FB3] =	sst s7  }
0x10: {  	[smem:$0x3FB4] =	sst s8  }
0x11: {  	[smem:$0x3FB5] =	sst s9;
	s0 =	simm.s32 @!p0 $0x0  }
0x12: {  	s1 =	sld [smem:$0x3F9B];
	s0 =	simm.s32 @p0 $0x1  }
0x13: {  	[smem:$0x3FB6] =	sst s0;
	s0 =	simm.s32 @!p1 $0x0  }
0x14: {  	s2 =	sld [smem:$0x3F9A];
	s0 =	simm.s32 @p1 $0x1  }
0x15: {  	[smem:$0x3FB7] =	sst s0;
	s0 =	simm.s32 @!p2 $0x0  }
0x16: {  	s3 =	sld [smem:$0x3FDB];
	s0 =	simm.s32 @p2 $0x1  }
0x17: {  	s4 =	simm.s32 $0x1BF5;
	[smem:$0x3FB9] =	sst s0  }
0x18: {  	s0 =	sld [smem:$0x3F9C];
	_ =	swait.ge [sflag:s4], $0x0  }
0x19: {  	s7 =	sld [smem:$0x3F9D]  }
0x1a: {  	s8 =	sadd.s32 $0xFFFFE003, lr  }
0x1b: {  	s9 =	sadd.s32 $0xFFFFFEF7, lr;
	s5 =	simm.s32 $0xFFFFFFFF;
	p2 =	slt.u32 s8, $0xFFFFF086  }
0x1c: {  	p1 =	slt.u32 s9, $0xF7A;
	s5 =	simm.s32 @!p2 $0x0  }
0x1d: {  	s5 =	simm.s32 @p1 $0x1;
	p0 =	seq.s32 s7, s2  }
0x1e: {  	s7 =	smul.u32 @!p0 $0xF7A, s2;
	p2 =	seq.s32 @!p0 s5, $0x0  }
0x1f: {  	s9 =	smul.u32 $0xF7A, s1;
	s8 =	simm.s32 @!p0 $0x1BF5;
	p2 =	por !p2, p0  }
0x20: {  	[sflag:s8] =	ssyncset.s32 @!p0 $0xFFFFF086;
	s6 =	sadd.s32 @!p0 s3, s7;
	s7 =	simm.s32 @!p0 $0x108  }
0x21: {  	s3 =	sadd.s32 s3, s9;
	s6 =	sadd.s32 @!p0 $0x88, s6;
	s7 =	simm.s32 @p2 $0x1082  }
0x22: {  	[simem:s7], [sflag:s8] =	dma.local @!p0 [hbm:s6], $0xF7A  }
0x23: {  	s9 =	sor.u32 $0xD0000000, s2;
	s6 =	simm.s32 $0x108;
	_ =	swait.ge @!p0 [sflag:s8], $0x0  }
0x24: {  	s3 =	sadd.s32 $0x88, s3;
	s6 =	simm.s32 @!p1 $0x1082;
	[sflag:s4] =	ssyncset.s32 $0xFFFFF086  }
0x25: {  	[simem:s6], [sflag:s4] =	dma.local [hbm:s3], $0xF7A  }
0x26: {  	[smem:$0x3F9D] =	sst s1;
	(tag) =	ssettag s2;
	_ =	strace s9  }
0x27: {  	s1 =	sld [smem:$0x3FAD]  }
0x28: {  	s2 =	sld [smem:$0x3FAE]  }
0x29: {  	s4 =	sld [smem:$0x3FB0]  }
0x2a: {  	p0 =	seq.s32 s5, $0x0;
	s5 =	sld [smem:$0x3FB1]  }
0x2b: {  	s6 =	sld [smem:$0x3FB2]  }
0x2c: {  	s7 =	sld [smem:$0x3FB3]  }
0x2d: {  	s3 =	simm.s32 $0x108;
	s8 =	sld [smem:$0x3FB4]  }
0x2e: {  	s3 =	simm.s32 @!p0 $0x1082;
	s9 =	sld [smem:$0x3FB5]  }
0x2f: {  	lr =	sadd.s32 s0, s3;
	s0 =	sld [smem:$0x3FAC]  }
0x30: {  	s3 =	sld [smem:$0x3FAF]  }
0x31: {  	[smem:$0x3FB8] =	sst s10  }
0x32: {  	s10 =	sld [smem:$0x3FB6];
	_ =	sdelay $0x3  }
0x33: {  	p0 =	seq.s32 s10, $0x1;
	s10 =	sld [smem:$0x3FB8];
	_ =	sdelay $0x3  }
0x34: {  	[smem:$0x3FB8] =	sst s10  }
0x35: {  	s10 =	sld [smem:$0x3FB7];
	_ =	sdelay $0x3  }
0x36: {  	p1 =	seq.s32 s10, $0x1;
	s10 =	sld [smem:$0x3FB8];
	_ =	sdelay $0x3  }
0x37: {  	[smem:$0x3FB8] =	sst s10  }
0x38: {  	s10 =	sld [smem:$0x3FB9]  }
0x39: {  	_ = 	snop;
	(pc) =	sbr.ind lr, $3  }
0x3a: {  	_ = 	snop  }
0x3b: {  	_ = 	snop  }
0x3c: {  	p2 =	seq.s32 s10, $0x1;
	s10 =	sld [smem:$0x3FB8]  }
0x3d: {  	_ =	shalt  }
0x3e: {  	_ =	shalt  }
0x3f: {  	_ =	shalt  }
0x40: {  	_ =	shalt  }
0x41: {  	_ =	shalt  }
0x42: {  	_ =	shalt  }
0x43: {  	_ =	shalt  }
0x44: {  	_ =	shalt  }
0x45: {  	_ =	shalt  }
0x46: {  	_ =	shalt  }
0x47: {  	_ =	shalt  }
0x48: {  	_ =	shalt  }
0x49: {  	_ =	shalt  }
0x4a: {  	_ =	shalt  }
0x4b: {  	_ =	shalt  }
0x4c: {  	_ =	shalt  }
0x4d: {  	_ =	shalt  }
0x4e: {  	_ =	shalt  }
0x4f: {  	_ =	shalt  }
0x50: {  	_ =	shalt  }
0x51: {  	_ =	shalt  }
0x52: {  	_ =	shalt  }
0x53: {  	_ =	shalt  }
0x54: {  	_ =	shalt  }
0x55: {  	_ =	shalt  }
0x56: {  	_ =	shalt  }
0x57: {  	_ =	shalt  }
0x58: {  	_ =	shalt  }
0x59: {  	_ =	shalt  }
0x5a: {  	_ =	shalt  }
0x5b: {  	_ =	shalt  }
0x5c: {  	_ =	shalt  }
0x5d: {  	_ =	shalt  }
0x5e: {  	_ =	shalt  }
0x5f: {  	_ =	shalt  }
0x60: {  	_ =	shalt  }
0x61: {  	_ =	shalt  }
0x62: {  	_ =	shalt  }
0x63: {  	_ =	shalt  }
0x64: {  	_ =	shalt  }
0x65: {  	_ =	shalt  }
0x66: {  	_ =	shalt  }
0x67: {  	_ =	shalt  }
0x68: {  	_ =	shalt  }
0x69: {  	_ =	shalt  }
0x6a: {  	_ =	shalt  }
0x6b: {  	_ =	shalt  }
0x6c: {  	_ =	shalt  }
0x6d: {  	_ =	shalt  }
0x6e: {  	_ =	shalt  }
0x6f: {  	_ =	shalt  }
0x70: {  	_ =	shalt  }
0x71: {  	_ =	shalt  }
0x72: {  	_ =	shalt  }
0x73: {  	_ =	shalt  }
0x74: {  	_ =	shalt  }
0x75: {  	_ =	shalt  }
0x76: {  	_ =	shalt  }
0x77: {  	_ =	shalt  }
0x78: {  	_ =	shalt  }
0x79: {  	_ =	shalt  }
0x7a: {  	_ =	shalt  }
0x7b: {  	_ =	shalt  }
0x7c: {  	_ =	shalt  }
0x7d: {  	_ =	shalt  }
0x7e: {  	_ =	shalt  }
0x7f: {  	_ =	shalt  }
0x80: {  	_ =	shalt  }
0x81: {  	_ =	shalt  }
0x82: {  	_ =	shalt  }
0x83: {  	_ =	shalt  }
0x84: {  	_ =	shalt  }
0x85: {  	_ =	shalt  }
0x86: {  	_ =	shalt  }
0x87: {  	_ =	shalt  }
.Lfunc_end0:
.L_simem_size_0:
called_computation_lowered:
.L_overlay_start_0:
0x88: {  	s2 =	sld [smem:$0x3FD9]  }
0x89: {  	s3 =	sld [smem:$0x3FFE];
	_ =	sdelay $0x1  }
0x8a: {  	s1 =	srdreg.scid  }
0x8b: {  	s0 =	sand.u32 $0x1, s1  }
0x8c: {  	s17 =	sshll.u32 s0, $0xA;
	s2 =	sadd.s32 s3, s2  }
0x8d: {  	s2 =	sadd.s32 s2, s17  }
0x8e: {  	[smem:$0x3FC4] =	sst s2  }
0x8f: {  	_ = 	snop  }
0x90: {  	s2 =	sld [smem:$0x3FC9]  }
0x91: {  	s18 =	sld [smem:$0x3FC8];
	(tm) =	ssettm $0x1  }
0x92: {  	s4 =	sld [smem:$0x3FFB];
	_ =	sdelay $0x3  }
0x93: {  	_ =	strace s4  }
0x94: {  	s4 =	sld [smem:$0x3FFC];
	_ =	sdelay $0x3  }
0x95: {  	_ =	strace s4  }
0x96: {  	s4 =	sld [smem:$0x3FFD];
	_ =	sdelay $0x3  }
0x97: {  	_ =	strace s4  }
0x98: {  	_ =	strace $0x8FFFFFFF  }
0x99: {  	s19 =	sld [smem:$0x3FDB];
	_ =	sdelay $0x1  }
0x9a: {  	s5 =	simm.s32 $_scs_section_size  }
0x9b: {  	s6 =	simm.s32 $_size__tile_overlayer_lowered;
	s7 =	simm.s32 $_tile_overlayer_lowered  }
0x9c: {  	s22 =	simm.s32 $0x1BFF;
	s21 =	sshll.u32 s7, $0x1;
	s4 =	sadd.s32 s5, s19  }
0x9d: {  	s8 =	simm.s32 $0x0;
	s20 =	sshll.u32 s6, $0x1;
	s6 =	sadd.s32 s21, s4  }
0x9e: {  	[timem:s8], [sflag:s22] =	dma.local [hbm:s6], s20  }
0x9f: {  	_ =	swait.ge [sflag:s22], s20  }
0xa0: {  	s5 =	ssub.s32 $0x0, s20;
	[sflag:s22] =	ssyncset.done $0x0  }
0xa1: {  	[sflag:s22] =	ssyncadd.s32 s5;
	_ =	sdelay $0x1  }
0xa2: {  	s23 =	simm.s32 $0x1B8B  }
0xa3: {  	_ =	swait.ge [sflag:s23], $0x1  }
0xa4: {  	[sflag:s23] =	ssyncset.done $0x0  }
0xa5: {  	s25 =	simm.s32 $0x1B8E;
	s24 =	sld [smem:$0x3FFE];
	[sflag:s23] =	ssyncadd.s32 $0xFFFFFFFF  }
0xa6: {  	s26 =	simm.s32 $execute0_lowered;
	[smem:$0x3FD2] =	sst s25  }
0xa7: {  	s6 =	sshll.u32 s26, $0x1;
	_ =	strace $0x80000046;
	[dreg:$0x1] =	wrdreg $0xFFFFFFFF  }
0xa8: {  	s28 =	simm.s32 $_size_execute0_lowered;
	s4 =	sadd.s32 s4, s6;
	[dreg:$0x0] =	wrdreg $0x0  }
0xa9: {  	s6 =	sshll.u32 s28, $0x1;
	[dreg:$0x2] =	wrdreg s4  }
0xaa: {  	[dreg:$0x3] =	wrdreg s6  }
0xab: {  	[dreg:$0x4] =	wrdreg $0xC0  }
0xac: {  	_ =	task [dreg:s8], $0x5FFFF  }
0xad: {  	[dreg:$0x1] =	wrdreg $0xFFFFFFFF  }
0xae: {  	[dreg:$0x0] =	wrdreg $0x60  }
0xaf: {  	[dreg:$0x2] =	wrdreg s2  }
0xb0: {  	[dreg:$0x3] =	wrdreg s18  }
0xb1: {  	[dreg:$0x4] =	wrdreg s24  }
0xb2: {  	[dreg:$0x5] =	wrdreg $0x9  }
0xb3: {  	_ =	task.clear_ibuf [dreg:s8], $0x6FFFF;
	_ =	strace $0x90000046  }
0xb4: {  	s29 =	simm.s32 $0x9;
	_ =	strace $0x80000048  }
0xb5: {  	_ =	swait.ge [sflag:s29], $0x1  }
0xb6: {  	[sflag:s29] =	ssyncadd.s32 $0xFFFFFFFF  }
0xb7: {  	_ =	strace $0x90000048  }
0xb8: {  	_ =	sfence  }
0xb9: {  	s30 =	sld [smem:$0x0];
	_ =	sdelay $0x2  }
0xba: {  	s31 =	sshll.u32 s1, $0xD;
	s1 =	sshrl.u32 s1, $0x2  }
0xbb: {  	s3 =	sand.u32 $0x4000, s31;
	s1 =	sadd.s32 s1, s30  }
0xbc: {  	s0 =	sor.u32 s3, s0;
	s1 =	sshll.u32 s1, $0x11  }
0xbd: {  	s0 =	sor.u32 s1, s0  }
0xbe: {  	s0 =	sadd.s32 $0x8F2B, s0  }
0xbf: {  	[sflag:s0] =	ssyncadd.remote.s32 $0x1  }
0xc0: {  	_ =	sfence.sel $0xFFFF  }
0xc1: {  	[dreg:$0x0] =	wrdreg $0xFFFFFFFF;
	(pc) =	sbr.abs _section_cstart, $3  }
0xc2: {  	[dreg:$0x1] =	wrdreg $0xFFFFFFFF  }
0xc3: {  	_ =	task.clear_ibuf [dreg:s8], $0x2FFFF;
	_ =	strace $0x9FFFFFFF  }
0xc4: {  	(tm) =	ssettm $0x7FFFFFFF  }
0xc5: {  	_ =	shalt  }
tec
execute0_lowered:
.L_overlay_start_1:
0x0: {  	(tag) =	ssettag $0x1  }
0x1: {  	s7 =	rddreg [dreg:$0x0]  }
0x2: {  	s8 =	rddreg [dreg:$0x1]  }
0x3: {  	s0 =	rddreg [dreg:$0x2]  }
0x4: {  	s1 =	srdreg.scid;
	s4 =	stileid.u32;
	s16 =	simm.s32 $0x0  }
0x5: {  	s29 =	simm.s32 $0x19080;
	s10 =	simm.s32 $0x20;
	s12 =	simm.s32 $0x30  }
0x6: {  	s13 =	simm.s32 $0x40;
	s14 =	simm.s32 $0x50;
	s15 =	simm.s32 $0x60  }
0x7: {  	s18 =	simm.s32 $0xB0;
	s11 =	simm.s32 $0x8010;
	s28 =	simm.s32 $0x80C0  }
0x8: {  	s20 =	simm.s32 $0x80D0;
	s1 =	sand.u32 $0x1, s1;
	s2 =	sshll.u32 s4, $0x1  }
0x9: {  	[smem:$0x7FF] =	sst s16;
	s4 =	sshrl.u32 s4, $0x2;
	s9 =	sadd.s32 $0x4C00, s0  }
0xa: {  	s2 =	sor.u32 s1, s2;
	_ =	strace $0x80000047;
	s6 =	sshll.u32 s4, $0x12  }
0xb: {  	s4 =	sshll.u32 s4, $0xA;
	[dreg:$0x4] =	wrdreg s9;
	s1 =	ssub.s32 $0x2, s1  }
0xc: {  	s9 =	simm.s32 $0x10;
	s3 =	sshll.u32 s2, $0x8;
	s5 =	sshll.u32 s2, $0x7  }
0xd: {  	s22 =	sshrl.u32 s1, $0x1;
	s2 =	sshll.u32 s2, $0x10;
	s3 =	sadd.s32 s3, s0  }
0xe: {  	s5 =	sand.u32 $0x380, s5;
	s1 =	ssub.s32 s1, s22;
	s24 =	sadd.s32 s7, s2  }
0xf: {  	s25 =	sadd.s32 s8, s2;
	[dreg:$0x6] =	wrdreg s2;
	s2 =	sor.u32 $0x800, s2  }
0x10: {  	s8 =	simm.s32 $0x10000;
	s7 =	simm.s32 $0x80B0;
	s22 =	simm.s32 $0x80F0  }
0x11: {  	s6 =	sor.u32 s6, s5;
	s4 =	sor.u32 s4, s5;
	[dreg:$0x8] =	wrdreg s24  }
0x12: {  	s23 =	sadd.s32 $0xC00, s3;
	s3 =	sadd.s32 $0x2C00, s3;
	[dreg:$0x9] =	wrdreg s25  }
0x13: {  	[dreg:$0xa] =	wrdreg s2;
	s31 =	smax.u32 s1, $0x1;
	s24 =	simm.s32 $0x8000  }
0x14: {  	s25 =	simm.s32 $0xC0;
	s1 =	simm.s32 $0xE0;
	[dreg:$0x5] =	wrdreg s23  }
0x15: {  	s2 =	simm.s32 $0x0;
	s21 =	sshrl.u32 s6, $0x3;
	[dreg:$0x7] =	wrdreg s3  }
0x16: {  	s4 =	sshrl.u32 s4, $0x3;
	[dreg:$0xe] =	wrdreg s31;
	s5 =	sadd.s32 s21, s0  }
0x17: {  	s6 =	simm.s32 $0x5;
	s0 =	sadd.s32 s4, s0;
	s26 =	sadd.s32 $0x5C00, s5  }
0x18: {  	s4 =	simm.s32 $0xA0;
	s30 =	sadd.s32 $0x25C00, s5;
	[dreg:$0xb] =	wrdreg s26  }
0x19: {  	s21 =	simm.s32 $0x80E0;
	s0 =	sadd.s32 $0x45C00, s0;
	[dreg:$0xc] =	wrdreg s30  }
0x1a: {  	v0 =	vimm.f32 $0.0e+00;
	v1 =	vimm.f32 $1.000000000e+00;
	v2 =	vlaneseq.u32;
	s5 =	simm.s32 $0x70;
	[dreg:$0xd] =	wrdreg s0;
	s26 =	simm.s32 $0xD0  }
.LBB2_1:
0x1b: {  	[dreg:$0xf] =	wrdreg s2  }
0x1c: {  	s0 =	rddreg [dreg:$0x5];
	s3 =	simm.s32 $0x18080  }
0x1d: {  	[tilespmem:s3], [sflag:$0x3] =	stream.linear.gather [hbm4b:s0+s16], $0x800, $0x38;
	[tilespmem:$0x19880] =	vst v63  }
0x1e: {  	s17 =	rddreg [dreg:$0x7];
	s19 =	simm.s32 $0x18880  }
0x1f: {  	[tilespmem:s19], [sflag:$0x4] =	stream.linear.gather [hbm4b:s17+s16], $0x800, $0x38;
	[tilespmem:$0x19880] =	vst v63  }
0x20: {  	s23 =	rddreg [dreg:$0x4]  }
0x21: {  	[tilespmem:s16], [sflag:$0x5] =	stream.linear.gather [hbm4b:s23+s16], $0x8000, $0x38;
	[tilespmem:$0x19880] =	vst v63  }
0x22: {  	_ =	swait.ge [sflag:s6], $0x8000  }
0x23: {  	[sflag:s6] =	ssyncset.done $0x0  }
0x24: {  	[sflag:s6] =	ssyncadd.s32 $0xFFFF8000  }
0x25: {  	[tilespmem:s24], [sflag:$0x5] =	stream.linear.gather [hbm4b:s23+s16], $0x8000, $0x38;
	[tilespmem:$0x19880] =	vst v63  }
0x26: {  	_ =	swait.ge [sflag:s6], $0x8000  }
0x27: {  	[sflag:s6] =	ssyncset.done $0x0  }
0x28: {  	[sflag:s6] =	ssyncadd.s32 $0xFFFF8000  }
0x29: {  	[tilespmem:$0x10000] =	vst v0  }
0x2a: {  	[tilespmem:$0x10010] =	vst v0  }
0x2b: {  	[tilespmem:$0x10020] =	vst v0  }
0x2c: {  	[tilespmem:$0x10030] =	vst v0  }
0x2d: {  	[tilespmem:$0x10040] =	vst v0  }
0x2e: {  	[tilespmem:$0x10050] =	vst v0  }
0x2f: {  	[tilespmem:$0x10060] =	vst v0  }
0x30: {  	s30 =	simm.s32 $0x3;
	[tilespmem:$0x10070] =	vst v0  }
0x31: {  	_ =	swait.ge [sflag:s30], $0x800  }
0x32: {  	[sflag:s30] =	ssyncset.done $0x0  }
0x33: {  	s31 =	simm.s32 $0x4;
	[sflag:s30] =	ssyncadd.s32 $0xFFFFF800  }
0x34: {  	_ =	swait.ge [sflag:s31], $0x800  }
0x35: {  	[sflag:s31] =	ssyncset.done $0x0  }
0x36: {  	s2 =	simm.s32 $0x40;
	s0 =	simm.s32 $0x0;
	[sflag:s31] =	ssyncadd.s32 $0xFFFFF800  }
.LBB2_2:
0x37: {  	p0 =	sne.s32 s2, $0x1FC0;
	v3 =	vld [tilespmem:s0+$0x18080];
	_ =	sdelay $0x2  }
0x38: {  	v4 =	vld [tilespmem:s0+$0x18880];
	_ =	sdelay $0x1  }
0x39: {  	vm0 =	veq.f32 v3, $2.000000000e+00;
	_ =	sdelay $0x1  }
.Ltmp0:
0x3a: {  	(pc) =	sbr.rel @p0 .LBB2_2-.Ltmp0, $4  }
0x3b: {  	vm1 =	vge.f32 v3, $0.0e+00;
	v3 =	vshll.u32 v4, $0x8  }
0x3c: {  	v3 =	vnsel vm1, $0x7F00, v3  }
0x3d: {  	[tilespmem:s0+$0x19080] =	vst v3  }
0x3e: {  	s0 =	sshra.s32 s2, $0x2;
	s2 =	sadd.s32 $0x40, s2;
	[tilespmem:v4+s8+$0x0] =	vst.idx.msk vm0, v1  }
0x3f: {  	v3 =	vld [tilespmem:s0+$0x18080];
	_ =	sdelay $0x2  }
0x40: {  	v4 =	vld [tilespmem:s0+$0x18880];
	_ =	sdelay $0x1  }
0x41: {  	vm0 =	veq.f32 v3, $2.000000000e+00;
	_ =	sdelay $0x2  }
0x42: {  	vm1 =	vge.f32 v3, $0.0e+00;
	v3 =	vshll.u32 v4, $0x8  }
0x43: {  	v3 =	vnsel vm1, $0x7F00, v3  }
0x44: {  	s3 =	simm.s32 $0x0;
	s24 =	rddreg [dreg:$0x8];
	[tilespmem:s0+$0x19080] =	vst v3  }
0x45: {  	s2 =	simm.s32 $0x10080;
	s30 =	rddreg [dreg:$0x9];
	s31 =	simm.s32 $0x14080;
	[tilespmem:v4+s8+$0x0] =	vst.idx.msk vm0, v1  }
0x46: {  	[tilespmem:s2], [sflag:$0x1] =	stream.linear.gather [hbm4b:s24+s3], $0x2000, $0x38;
	[tilespmem:$0x19880] =	vst v63  }
0x47: {  	s19 =	simm.s32 $0x0;
	s0 =	simm.s32 $0x0;
	s8 =	simm.s32 $0x90  }
0x48: {  	[tilespmem:s31], [sflag:$0x3] =	stream.linear.gather [hbm4b:s30+s3], $0x2000, $0x38;
	[tilespmem:$0x19880] =	vst v63  }
.LBB2_4:
0x49: {  	[dreg:$0x10] =	wrdreg s0  }
0x4a: {  	s6 =	sshll.u32 s0, $0xB;
	s2 =	rddreg [dreg:$0x6]  }
0x4b: {  	s16 =	rddreg [dreg:$0x0];
	s3 =	simm.s32 $0x0;
	s0 =	sadd.s32 s6, s2  }
0x4c: {  	s17 =	sadd.s32 $0xFFFFFFFE, s19;
	s23 =	rddreg [dreg:$0x1];
	s0 =	sadd.s32 $0x400, s0  }
0x4d: {  	s6 =	simm.s32 $0x12080;
	s2 =	sadd.s32 s16, s0;
	s16 =	sadd.s32 $0x2, s17  }
0x4e: {  	[tilespmem:s6], [sflag:$0x2] =	stream.linear.gather [hbm4b:s2+s3], $0x2000, $0x38;
	[tilespmem:$0x19880] =	vst v63  }
0x4f: {  	s24 =	simm.s32 $0x16080;
	s0 =	sadd.s32 s23, s0;
	v3 =	vmov s16;
	s6 =	simm.s32 $0x1  }
0x50: {  	v3 =	vand.u32 $0xFFFFFFFE, v3;
	[tilespmem:s24], [sflag:$0x4] =	stream.linear.gather [hbm4b:s0+s3], $0x2000, $0x38;
	[tilespmem:$0x19880] =	vst v63  }
0x51: {  	v3 =	vbroadcast v3, $0x0;
	_ =	swait.ge [sflag:s6], $0x2000  }
0x52: {  	[sflag:s6] =	ssyncset.done $0x0  }
0x53: {  	s16 =	simm.s32 $0x3;
	[sflag:s6] =	ssyncadd.s32 $0xFFFFE000  }
0x54: {  	s17 =	sadd.s32 $0x3, s17;
	_ =	swait.ge [sflag:s16], $0x2000  }
0x55: {  	v4 =	vmov s17;
	[sflag:s16] =	ssyncset.done $0x0  }
0x56: {  	[sflag:s16] =	ssyncadd.s32 $0xFFFFE000  }
0x57: {  	v5 =	vld.idx.msk [tilespmem:v3+s29+$0x0], $0xffff;
	_ =	sdelay $0x1  }
0x58: {  	s23 =	sand.u32 $0x1800, s3;
	s24 =	simm.s32 $0x0  }
0x59: {  	s0 =	sor.u32 $0x10080, s23;
	s2 =	sand.u32 $0x300, s24;
	v6 =	vld.idx.msk [tilespmem:v4+s29+$0x0], $0xffff  }
0x5a: {  	s23 =	sor.u32 s2, s0;
	[dreg:$0x11] =	wrdreg s2  }
0x5b: {  	s31 =	simm.s32 $0x80;
	v10 =	vadd.s32 v2, v5;
	v5 =	vld [tilespmem:s23+$0x0]  }
0x5c: {  	s6 =	sand.u32 $0x380, s31  }
0x5d: {  	s30 =	sadd.s32 s6, s0;
	[dreg:$0x12] =	wrdreg s6  }
0x5e: {  	v7 =	vadd.s32 v2, v6;
	v6 =	vld [tilespmem:s30+$0x0];
	_ =	sdelay $0x1  }
0x5f: {  	[tilespmem:v10+s3+$0x0] =	vst.idx.add.f32.msk $0xffff, v5  }
0x60: {  	v5 =	vld [tilespmem:s23+$0x10];
	_ =	sdelay $0x1  }
0x61: {  	[tilespmem:v7+s3+$0x0] =	vst.idx.add.f32.msk $0xffff, v6  }
0x62: {  	v6 =	vld [tilespmem:s30+$0x10];
	_ =	sdelay $0x1  }
0x63: {  	[tilespmem:v10+s9+$0x0] =	vst.idx.add.f32.msk $0xffff, v5  }
0x64: {  	v5 =	vld [tilespmem:s23+$0x20];
	_ =	sdelay $0x1  }
0x65: {  	[tilespmem:v7+s9+$0x0] =	vst.idx.add.f32.msk $0xffff, v6  }
0x66: {  	v6 =	vld [tilespmem:s30+$0x20];
	_ =	sdelay $0x1  }
0x67: {  	[tilespmem:v10+s10+$0x0] =	vst.idx.add.f32.msk $0xffff, v5  }
0x68: {  	v5 =	vld [tilespmem:s23+$0x30];
	_ =	sdelay $0x1  }
0x69: {  	[tilespmem:v7+s10+$0x0] =	vst.idx.add.f32.msk $0xffff, v6  }
0x6a: {  	v6 =	vld [tilespmem:s30+$0x30];
	_ =	sdelay $0x1  }
0x6b: {  	[tilespmem:v10+s12+$0x0] =	vst.idx.add.f32.msk $0xffff, v5  }
0x6c: {  	v5 =	vld [tilespmem:s23+$0x40];
	_ =	sdelay $0x1  }
0x6d: {  	[tilespmem:v7+s12+$0x0] =	vst.idx.add.f32.msk $0xffff, v6  }
0x6e: {  	v6 =	vld [tilespmem:s30+$0x40];
	_ =	sdelay $0x1  }
0x6f: {  	[tilespmem:v10+s13+$0x0] =	vst.idx.add.f32.msk $0xffff, v5  }
0x70: {  	v5 =	vld [tilespmem:s23+$0x50];
	_ =	sdelay $0x1  }
0x71: {  	[tilespmem:v7+s13+$0x0] =	vst.idx.add.f32.msk $0xffff, v6  }
0x72: {  	v6 =	vld [tilespmem:s30+$0x50];
	_ =	sdelay $0x1  }
0x73: {  	[tilespmem:v10+s14+$0x0] =	vst.idx.add.f32.msk $0xffff, v5  }
0x74: {  	v5 =	vld [tilespmem:s23+$0x60];
	_ =	sdelay $0x1  }
0x75: {  	[tilespmem:v7+s14+$0x0] =	vst.idx.add.f32.msk $0xffff, v6  }
0x76: {  	v6 =	vld [tilespmem:s30+$0x60];
	_ =	sdelay $0x1  }
0x77: {  	[tilespmem:v10+s15+$0x0] =	vst.idx.add.f32.msk $0xffff, v5  }
0x78: {  	v5 =	vld [tilespmem:s23+$0x70];
	_ =	sdelay $0x1  }
0x79: {  	[tilespmem:v7+s15+$0x0] =	vst.idx.add.f32.msk $0xffff, v6  }
0x7a: {  	v6 =	vld [tilespmem:s30+$0x70];
	_ =	sdelay $0x1  }
0x7b: {  	[tilespmem:v10+s5+$0x0] =	vst.idx.add.f32.msk $0xffff, v5  }
0x7c: {  	s15 =	sadd.s32 $0x0, s19;
	v5 =	vld [tilespmem:s23+$0x400]  }
0x7d: {  	s16 =	sadd.s32 $0x2, s15  }
0x7e: {  	[tilespmem:v7+s5+$0x0] =	vst.idx.add.f32.msk $0xffff, v6;
	v6 =	vmov s16  }
0x7f: {  	v8 =	vld [tilespmem:s30+$0x400];
	v6 =	vand.u32 $0xFFFFFFFE, v6  }
0x80: {  	v6 =	vbroadcast v6, $0x0  }
0x81: {  	[tilespmem:v10+s31+$0x0] =	vst.idx.add.f32.msk $0xffff, v5  }
0x82: {  	v9 =	vld [tilespmem:s23+$0x410]  }
0x83: {  	s0 =	sadd.s32 $0x3, s15  }
0x84: {  	v5 =	vmov s0;
	[tilespmem:v7+s31+$0x0] =	vst.idx.add.f32.msk $0xffff, v8  }
0x85: {  	v8 =	vld [tilespmem:s30+$0x410]  }
0x86: {  	v11 =	vld.idx.msk [tilespmem:v6+s29+$0x0], $0xffff  }
0x87: {  	[tilespmem:v10+s8+$0x0] =	vst.idx.add.f32.msk $0xffff, v9  }
0x88: {  	s2 =	simm.s32 $0x200;
	v9 =	vld [tilespmem:s23+$0x420]  }
0x89: {  	s24 =	simm.s32 $0x100;
	s17 =	sand.u32 $0x1800, s2;
	v12 =	vld.idx.msk [tilespmem:v5+s29+$0x0], $0xffff  }
0x8a: {  	s17 =	sor.u32 $0x10080, s17;
	s16 =	sand.u32 $0x300, s24;
	[tilespmem:v7+s8+$0x0] =	vst.idx.add.f32.msk $0xffff, v8  }
0x8b: {  	s0 =	sor.u32 s16, s17;
	v13 =	vld [tilespmem:s30+$0x420]  }
0x8c: {  	s16 =	simm.s32 $0x180;
	v8 =	vadd.s32 v2, v11;
	v11 =	vld [tilespmem:s0+$0x0]  }
0x8d: {  	s24 =	sand.u32 $0x380, s16;
	[tilespmem:v10+s4+$0x0] =	vst.idx.add.f32.msk $0xffff, v9  }
0x8e: {  	s17 =	sadd.s32 s24, s17;
	v14 =	vld [tilespmem:s23+$0x430]  }
0x8f: {  	v15 =	vld [tilespmem:s17+$0x0]  }
0x90: {  	v9 =	vadd.s32 v2, v12;
	[tilespmem:v7+s4+$0x0] =	vst.idx.add.f32.msk $0xffff, v13  }
0x91: {  	[tilespmem:v8+s3+$0x0] =	vst.idx.add.f32.msk $0xffff, v11  }
0x92: {  	v11 =	vld [tilespmem:s0+$0x10]  }
0x93: {  	[tilespmem:v10+s18+$0x0] =	vst.idx.add.f32.msk $0xffff, v14  }
0x94: {  	v12 =	vld [tilespmem:s23+$0x440]  }
0x95: {  	[tilespmem:v9+s3+$0x0] =	vst.idx.add.f32.msk $0xffff, v15  }
0x96: {  	s9 =	simm.s32 $0x10;
	v13 =	vld [tilespmem:s17+$0x10]  }
0x97: {  	[tilespmem:v8+s9+$0x0] =	vst.idx.add.f32.msk $0xffff, v11  }
0x98: {  	v11 =	vld [tilespmem:s0+$0x20]  }
0x99: {  	[tilespmem:v10+s25+$0x0] =	vst.idx.add.f32.msk $0xffff, v12  }
0x9a: {  	v12 =	vld [tilespmem:s23+$0x450]  }
0x9b: {  	[tilespmem:v9+s9+$0x0] =	vst.idx.add.f32.msk $0xffff, v13  }
0x9c: {  	s10 =	simm.s32 $0x20;
	v13 =	vld [tilespmem:s17+$0x20]  }
0x9d: {  	[tilespmem:v8+s10+$0x0] =	vst.idx.add.f32.msk $0xffff, v11  }
0x9e: {  	v11 =	vld [tilespmem:s0+$0x30]  }
0x9f: {  	[tilespmem:v10+s26+$0x0] =	vst.idx.add.f32.msk $0xffff, v12  }
0xa0: {  	v12 =	vld [tilespmem:s23+$0x460]  }
0xa1: {  	[tilespmem:v9+s10+$0x0] =	vst.idx.add.f32.msk $0xffff, v13  }
0xa2: {  	s12 =	simm.s32 $0x30;
	v13 =	vld [tilespmem:s17+$0x30]  }
0xa3: {  	[tilespmem:v8+s12+$0x0] =	vst.idx.add.f32.msk $0xffff, v11  }
0xa4: {  	v11 =	vld [tilespmem:s0+$0x40]  }
0xa5: {  	[tilespmem:v10+s1+$0x0] =	vst.idx.add.f32.msk $0xffff, v12  }
0xa6: {  	v12 =	vld [tilespmem:s23+$0x470]  }
0xa7: {  	[tilespmem:v9+s12+$0x0] =	vst.idx.add.f32.msk $0xffff, v13  }
0xa8: {  	v13 =	vld [tilespmem:s17+$0x40]  }
0xa9: {  	s13 =	simm.s32 $0x40;
	v14 =	vld [tilespmem:s30+$0x430]  }
0xaa: {  	s3 =	simm.s32 $0xF0;
	[tilespmem:v8+s13+$0x0] =	vst.idx.add.f32.msk $0xffff, v11  }
0xab: {  	[tilespmem:v10+s3+$0x0] =	vst.idx.add.f32.msk $0xffff, v12  }
0xac: {  	v10 =	vld [tilespmem:s0+$0x50]  }
0xad: {  	[tilespmem:v9+s13+$0x0] =	vst.idx.add.f32.msk $0xffff, v13  }
0xae: {  	v11 =	vld [tilespmem:s17+$0x50]  }
0xaf: {  	[tilespmem:v7+s18+$0x0] =	vst.idx.add.f32.msk $0xffff, v14  }
0xb0: {  	s14 =	simm.s32 $0x50;
	v12 =	vld [tilespmem:s30+$0x440]  }
0xb1: {  	[tilespmem:v8+s14+$0x0] =	vst.idx.add.f32.msk $0xffff, v10  }
0xb2: {  	v10 =	vld [tilespmem:s0+$0x60]  }
0xb3: {  	[tilespmem:v9+s14+$0x0] =	vst.idx.add.f32.msk $0xffff, v11  }
0xb4: {  	v11 =	vld [tilespmem:s17+$0x60]  }
0xb5: {  	[tilespmem:v7+s25+$0x0] =	vst.idx.add.f32.msk $0xffff, v12  }
0xb6: {  	s15 =	simm.s32 $0x60;
	v13 =	vld [tilespmem:s30+$0x450]  }
0xb7: {  	[tilespmem:v8+s15+$0x0] =	vst.idx.add.f32.msk $0xffff, v10  }
0xb8: {  	v10 =	vld [tilespmem:s0+$0x70]  }
0xb9: {  	[tilespmem:v9+s15+$0x0] =	vst.idx.add.f32.msk $0xffff, v11  }
0xba: {  	v12 =	vld [tilespmem:s17+$0x70]  }
0xbb: {  	[tilespmem:v7+s26+$0x0] =	vst.idx.add.f32.msk $0xffff, v13  }
0xbc: {  	s5 =	simm.s32 $0x70;
	v11 =	vld [tilespmem:s30+$0x460]  }
0xbd: {  	s23 =	simm.s32 $0x2;
	[tilespmem:v8+s5+$0x0] =	vst.idx.add.f32.msk $0xffff, v10;
	v10 =	vmov v9  }
.LBB2_5:
0xbe: {  	s24 =	sadd.s32 s23, s19;
	v13 =	vld [tilespmem:s0+$0x400]  }
0xbf: {  	s6 =	sadd.s32 $0x2, s24;
	s24 =	sadd.s32 $0x3, s24;
	[tilespmem:v9+s5+$0x0] =	vst.idx.add.f32.msk $0xffff, v12  }
0xc0: {  	s23 =	sadd.s32 $0x2, s23;
	v12 =	vmov s6;
	v14 =	vmov s24;
	v15 =	vld [tilespmem:s17+$0x400]  }
0xc1: {  	p0 =	slt.u32 s23, $0x1E;
	v12 =	vand.u32 $0xFFFFFFFE, v12;
	[tilespmem:v7+s1+$0x0] =	vst.idx.add.f32.msk $0xffff, v11  }
0xc2: {  	v11 =	vbroadcast v12, $0x0;
	v12 =	vld [tilespmem:s30+$0x470];
	s30 =	smov.u32 s17  }
0xc3: {  	[tilespmem:v8+s31+$0x0] =	vst.idx.add.f32.msk $0xffff, v13  }
0xc4: {  	v13 =	vld [tilespmem:s0+$0x410]  }
0xc5: {  	v14 =	vld.idx.msk [tilespmem:v14+s29+$0x0], $0xffff  }
0xc6: {  	[tilespmem:v9+s31+$0x0] =	vst.idx.add.f32.msk $0xffff, v15  }
0xc7: {  	v15 =	vld [tilespmem:s30+$0x410]  }
0xc8: {  	v11 =	vld.idx.msk [tilespmem:v11+s29+$0x0], $0xffff  }
0xc9: {  	[tilespmem:v8+s8+$0x0] =	vst.idx.add.f32.msk $0xffff, v13  }
0xca: {  	s16 =	sadd.s32 $0x100, s16;
	s2 =	sadd.s32 $0x200, s2;
	v13 =	vld [tilespmem:s0+$0x420]  }
0xcb: {  	s6 =	sand.u32 $0x1800, s2;
	s24 =	sand.u32 $0x380, s16;
	s17 =	sadd.s32 $0xFFFFFF80, s16;
	[tilespmem:v7+s3+$0x0] =	vst.idx.add.f32.msk $0xffff, v12;
	v7 =	vmov v9;
	v9 =	vadd.s32 v2, v14  }
0xcc: {  	s6 =	sor.u32 $0x10080, s6;
	s17 =	sand.u32 $0x300, s17;
	[tilespmem:v10+s8+$0x0] =	vst.idx.add.f32.msk $0xffff, v15;
	v10 =	vmov v9  }
0xcd: {  	s8 =	sor.u32 s17, s6;
	s17 =	sadd.s32 s24, s6;
	v12 =	vld [tilespmem:s30+$0x420]  }
0xce: {  	v11 =	vadd.s32 v2, v11;
	v14 =	vld [tilespmem:s8+$0x0]  }
0xcf: {  	[tilespmem:v8+s4+$0x0] =	vst.idx.add.f32.msk $0xffff, v13  }
0xd0: {  	v13 =	vld [tilespmem:s0+$0x430]  }
0xd1: {  	v15 =	vld [tilespmem:s17+$0x0]  }
0xd2: {  	s24 =	simm.s32 $0x0;
	[tilespmem:v7+s4+$0x0] =	vst.idx.add.f32.msk $0xffff, v12  }
0xd3: {  	[tilespmem:v11+s24+$0x0] =	vst.idx.add.f32.msk $0xffff, v14  }
0xd4: {  	v12 =	vld [tilespmem:s8+$0x10]  }
0xd5: {  	[tilespmem:v8+s18+$0x0] =	vst.idx.add.f32.msk $0xffff, v13  }
0xd6: {  	v13 =	vld [tilespmem:s0+$0x440]  }
0xd7: {  	[tilespmem:v9+s24+$0x0] =	vst.idx.add.f32.msk $0xffff, v15  }
0xd8: {  	v14 =	vld [tilespmem:s17+$0x10]  }
0xd9: {  	[tilespmem:v11+s9+$0x0] =	vst.idx.add.f32.msk $0xffff, v12  }
0xda: {  	v12 =	vld [tilespmem:s8+$0x20]  }
0xdb: {  	[tilespmem:v8+s25+$0x0] =	vst.idx.add.f32.msk $0xffff, v13  }
0xdc: {  	v13 =	vld [tilespmem:s0+$0x450]  }
0xdd: {  	[tilespmem:v9+s9+$0x0] =	vst.idx.add.f32.msk $0xffff, v14  }
0xde: {  	v14 =	vld [tilespmem:s17+$0x20]  }
0xdf: {  	[tilespmem:v11+s10+$0x0] =	vst.idx.add.f32.msk $0xffff, v12  }
0xe0: {  	v12 =	vld [tilespmem:s8+$0x30]  }
0xe1: {  	[tilespmem:v8+s26+$0x0] =	vst.idx.add.f32.msk $0xffff, v13  }
0xe2: {  	v13 =	vld [tilespmem:s0+$0x460]  }
0xe3: {  	[tilespmem:v9+s10+$0x0] =	vst.idx.add.f32.msk $0xffff, v14  }
0xe4: {  	v14 =	vld [tilespmem:s17+$0x30]  }
0xe5: {  	[tilespmem:v11+s12+$0x0] =	vst.idx.add.f32.msk $0xffff, v12  }
0xe6: {  	v12 =	vld [tilespmem:s8+$0x40]  }
0xe7: {  	[tilespmem:v8+s1+$0x0] =	vst.idx.add.f32.msk $0xffff, v13  }
0xe8: {  	v13 =	vld [tilespmem:s0+$0x470];
	s0 =	smov.u32 s8;
	s8 =	simm.s32 $0x90  }
0xe9: {  	[tilespmem:v9+s12+$0x0] =	vst.idx.add.f32.msk $0xffff, v14  }
0xea: {  	v14 =	vld [tilespmem:s17+$0x40]  }
0xeb: {  	v15 =	vld [tilespmem:s30+$0x430]  }
0xec: {  	[tilespmem:v11+s13+$0x0] =	vst.idx.add.f32.msk $0xffff, v12  }
0xed: {  	[tilespmem:v8+s3+$0x0] =	vst.idx.add.f32.msk $0xffff, v13;
	v8 =	vmov v11  }
0xee: {  	v11 =	vld [tilespmem:s0+$0x50]  }
0xef: {  	[tilespmem:v9+s13+$0x0] =	vst.idx.add.f32.msk $0xffff, v14  }
0xf0: {  	v12 =	vld [tilespmem:s17+$0x50]  }
0xf1: {  	[tilespmem:v7+s18+$0x0] =	vst.idx.add.f32.msk $0xffff, v15  }
0xf2: {  	v13 =	vld [tilespmem:s30+$0x440]  }
0xf3: {  	[tilespmem:v8+s14+$0x0] =	vst.idx.add.f32.msk $0xffff, v11  }
0xf4: {  	v11 =	vld [tilespmem:s0+$0x60]  }
0xf5: {  	[tilespmem:v9+s14+$0x0] =	vst.idx.add.f32.msk $0xffff, v12  }
0xf6: {  	v12 =	vld [tilespmem:s17+$0x60]  }
0xf7: {  	[tilespmem:v7+s25+$0x0] =	vst.idx.add.f32.msk $0xffff, v13  }
0xf8: {  	v13 =	vld [tilespmem:s30+$0x450]  }
0xf9: {  	[tilespmem:v8+s15+$0x0] =	vst.idx.add.f32.msk $0xffff, v11  }
0xfa: {  	v14 =	vld [tilespmem:s0+$0x70]  }
.Ltmp1:
0xfb: {  	[tilespmem:v9+s15+$0x0] =	vst.idx.add.f32.msk $0xffff, v12;
	(pc) =	sbr.rel @p0 .LBB2_5-.Ltmp1, $4  }
0xfc: {  	v12 =	vld [tilespmem:s17+$0x70]  }
0xfd: {  	[tilespmem:v7+s26+$0x0] =	vst.idx.add.f32.msk $0xffff, v13  }
0xfe: {  	v11 =	vld [tilespmem:s30+$0x460]  }
0xff: {  	[tilespmem:v8+s5+$0x0] =	vst.idx.add.f32.msk $0xffff, v14  }
0x100: {  	_ =	sdelay $0x2  }
0x101: {  	v13 =	vld [tilespmem:s0+$0x400]  }
0x102: {  	[tilespmem:v9+s5+$0x0] =	vst.idx.add.f32.msk $0xffff, v12  }
0x103: {  	v12 =	vld [tilespmem:s17+$0x400];
	_ =	sdelay $0x2  }
0x104: {  	[tilespmem:v8+s31+$0x0] =	vst.idx.add.f32.msk $0xffff, v13  }
0x105: {  	v13 =	vld [tilespmem:s0+$0x410]  }
0x106: {  	[tilespmem:v9+s31+$0x0] =	vst.idx.add.f32.msk $0xffff, v12  }
0x107: {  	v12 =	vld [tilespmem:s17+$0x410];
	_ =	sdelay $0x2  }
0x108: {  	[tilespmem:v8+s8+$0x0] =	vst.idx.add.f32.msk $0xffff, v13  }
0x109: {  	v13 =	vld [tilespmem:s0+$0x420]  }
0x10a: {  	[tilespmem:v10+s8+$0x0] =	vst.idx.add.f32.msk $0xffff, v12  }
0x10b: {  	v10 =	vld [tilespmem:s17+$0x420];
	_ =	sdelay $0x2  }
0x10c: {  	[tilespmem:v8+s4+$0x0] =	vst.idx.add.f32.msk $0xffff, v13  }
0x10d: {  	v63 =	vld [tilespmem:s0+$0x430]  }
0x10e: {  	[tilespmem:v9+s4+$0x0] =	vst.idx.add.f32.msk $0xffff, v10  }
0x10f: {  	v10 =	vld [tilespmem:s17+$0x430];
	_ =	sdelay $0x2  }
0x110: {  	[tilespmem:v8+s18+$0x0] =	vst.idx.add.f32.msk $0xffff, v63  }
0x111: {  	v12 =	vld [tilespmem:s0+$0x440]  }
0x112: {  	[tilespmem:v9+s18+$0x0] =	vst.idx.add.f32.msk $0xffff, v10  }
0x113: {  	v10 =	vld [tilespmem:s17+$0x440];
	_ =	sdelay $0x2  }
0x114: {  	[tilespmem:v8+s25+$0x0] =	vst.idx.add.f32.msk $0xffff, v12  }
0x115: {  	v12 =	vld [tilespmem:s0+$0x450]  }
0x116: {  	[tilespmem:v9+s25+$0x0] =	vst.idx.add.f32.msk $0xffff, v10  }
0x117: {  	v10 =	vld [tilespmem:s17+$0x450];
	_ =	sdelay $0x2  }
0x118: {  	[tilespmem:v8+s26+$0x0] =	vst.idx.add.f32.msk $0xffff, v12  }
0x119: {  	v12 =	vld [tilespmem:s0+$0x460]  }
0x11a: {  	[tilespmem:v9+s26+$0x0] =	vst.idx.add.f32.msk $0xffff, v10  }
0x11b: {  	v10 =	vld [tilespmem:s17+$0x460]  }
0x11c: {  	[tilespmem:v7+s1+$0x0] =	vst.idx.add.f32.msk $0xffff, v11  }
0x11d: {  	v11 =	vld [tilespmem:s30+$0x470]  }
0x11e: {  	[tilespmem:v8+s1+$0x0] =	vst.idx.add.f32.msk $0xffff, v12  }
0x11f: {  	v12 =	vld [tilespmem:s0+$0x470]  }
0x120: {  	[tilespmem:v9+s1+$0x0] =	vst.idx.add.f32.msk $0xffff, v10  }
0x121: {  	v10 =	vld [tilespmem:s17+$0x470];
	_ =	sdelay $0x2  }
0x122: {  	[tilespmem:v7+s3+$0x0] =	vst.idx.add.f32.msk $0xffff, v11  }
0x123: {  	[tilespmem:v8+s3+$0x0] =	vst.idx.add.f32.msk $0xffff, v12  }
0x124: {  	[tilespmem:v9+s3+$0x0] =	vst.idx.add.f32.msk $0xffff, v10  }
0x125: {  	v3 =	vld.idx.msk [tilespmem:v3+s29+$0x0], $0xffff  }
0x126: {  	v4 =	vld.idx.msk [tilespmem:v4+s29+$0x0], $0xffff  }
0x127: {  	s23 =	sand.u32 $0x1800, s24  }
0x128: {  	s0 =	sor.u32 $0x14080, s23;
	s1 =	rddreg [dreg:$0x11]  }
0x129: {  	s24 =	rddreg [dreg:$0x12];
	s23 =	sor.u32 s1, s0  }
0x12a: {  	s30 =	sadd.s32 s24, s0;
	v8 =	vld [tilespmem:s23+$0x0];
	v7 =	vadd.s32 v2, v3  }
0x12b: {  	v3 =	vadd.s32 v2, v4;
	v4 =	vld [tilespmem:s30+$0x0];
	_ =	sdelay $0x2  }
0x12c: {  	s24 =	simm.s32 $0x8000  }
0x12d: {  	[tilespmem:v7+s24+$0x0] =	vst.idx.add.f32.msk $0xffff, v8  }
0x12e: {  	[tilespmem:v3+s24+$0x0] =	vst.idx.add.f32.msk $0xffff, v4  }
0x12f: {  	v8 =	vld [tilespmem:s23+$0x10]  }
0x130: {  	v4 =	vld [tilespmem:s30+$0x10];
	_ =	sdelay $0x3  }
0x131: {  	[tilespmem:v7+s11+$0x0] =	vst.idx.add.f32.msk $0xffff, v8  }
0x132: {  	[tilespmem:v3+s11+$0x0] =	vst.idx.add.f32.msk $0xffff, v4  }
0x133: {  	v8 =	vld [tilespmem:s23+$0x20]  }
0x134: {  	v4 =	vld [tilespmem:s30+$0x20];
	_ =	sdelay $0x2  }
0x135: {  	s1 =	simm.s32 $0x8020  }
0x136: {  	[tilespmem:v7+s1+$0x0] =	vst.idx.add.f32.msk $0xffff, v8  }
0x137: {  	[tilespmem:v3+s1+$0x0] =	vst.idx.add.f32.msk $0xffff, v4  }
0x138: {  	v8 =	vld [tilespmem:s23+$0x30]  }
0x139: {  	v4 =	vld [tilespmem:s30+$0x30];
	_ =	sdelay $0x2  }
0x13a: {  	s3 =	simm.s32 $0x8030  }
0x13b: {  	[tilespmem:v7+s3+$0x0] =	vst.idx.add.f32.msk $0xffff, v8  }
0x13c: {  	[tilespmem:v3+s3+$0x0] =	vst.idx.add.f32.msk $0xffff, v4  }
0x13d: {  	v8 =	vld [tilespmem:s23+$0x40]  }
0x13e: {  	v4 =	vld [tilespmem:s30+$0x40];
	_ =	sdelay $0x2  }
0x13f: {  	s4 =	simm.s32 $0x8040  }
0x140: {  	[tilespmem:v7+s4+$0x0] =	vst.idx.add.f32.msk $0xffff, v8  }
0x141: {  	[tilespmem:v3+s4+$0x0] =	vst.idx.add.f32.msk $0xffff, v4  }
0x142: {  	v8 =	vld [tilespmem:s23+$0x50]  }
0x143: {  	v4 =	vld [tilespmem:s30+$0x50];
	_ =	sdelay $0x2  }
0x144: {  	s5 =	simm.s32 $0x8050  }
0x145: {  	[tilespmem:v7+s5+$0x0] =	vst.idx.add.f32.msk $0xffff, v8  }
0x146: {  	[tilespmem:v3+s5+$0x0] =	vst.idx.add.f32.msk $0xffff, v4  }
0x147: {  	v8 =	vld [tilespmem:s23+$0x60]  }
0x148: {  	v4 =	vld [tilespmem:s30+$0x60];
	_ =	sdelay $0x2  }
0x149: {  	s9 =	simm.s32 $0x8060  }
0x14a: {  	[tilespmem:v7+s9+$0x0] =	vst.idx.add.f32.msk $0xffff, v8  }
0x14b: {  	[tilespmem:v3+s9+$0x0] =	vst.idx.add.f32.msk $0xffff, v4  }
0x14c: {  	v8 =	vld [tilespmem:s23+$0x70]  }
0x14d: {  	v4 =	vld [tilespmem:s30+$0x70];
	_ =	sdelay $0x2  }
0x14e: {  	s10 =	simm.s32 $0x8070  }
0x14f: {  	[tilespmem:v7+s10+$0x0] =	vst.idx.add.f32.msk $0xffff, v8  }
0x150: {  	[tilespmem:v3+s10+$0x0] =	vst.idx.add.f32.msk $0xffff, v4  }
0x151: {  	v8 =	vld [tilespmem:s23+$0x400]  }
0x152: {  	v4 =	vld [tilespmem:s30+$0x400];
	_ =	sdelay $0x2  }
0x153: {  	s12 =	simm.s32 $0x8080  }
0x154: {  	[tilespmem:v7+s12+$0x0] =	vst.idx.add.f32.msk $0xffff, v8  }
0x155: {  	[tilespmem:v3+s12+$0x0] =	vst.idx.add.f32.msk $0xffff, v4  }
0x156: {  	v8 =	vld [tilespmem:s23+$0x410]  }
0x157: {  	v4 =	vld [tilespmem:s30+$0x410]  }
0x158: {  	v6 =	vld.idx.msk [tilespmem:v6+s29+$0x0], $0xffff  }
0x159: {  	s2 =	simm.s32 $0x200  }
0x15a: {  	s13 =	simm.s32 $0x8090;
	s6 =	simm.s32 $0x100;
	s25 =	sand.u32 $0x1800, s2;
	v5 =	vld.idx.msk [tilespmem:v5+s29+$0x0], $0xffff  }
0x15b: {  	s6 =	sand.u32 $0x300, s6;
	s26 =	sor.u32 $0x14080, s25;
	[tilespmem:v7+s13+$0x0] =	vst.idx.add.f32.msk $0xffff, v8  }
0x15c: {  	s0 =	sor.u32 s6, s26;
	[tilespmem:v3+s13+$0x0] =	vst.idx.add.f32.msk $0xffff, v4  }
0x15d: {  	s16 =	simm.s32 $0x180;
	v4 =	vadd.s32 v2, v6;
	v6 =	vld [tilespmem:s0+$0x0]  }
0x15e: {  	s31 =	sand.u32 $0x380, s16;
	v8 =	vld [tilespmem:s23+$0x420]  }
0x15f: {  	s17 =	sadd.s32 s31, s26  }
0x160: {  	v10 =	vld [tilespmem:s17+$0x0]  }
0x161: {  	v5 =	vadd.s32 v2, v5;
	v9 =	vld [tilespmem:s30+$0x420]  }
0x162: {  	s14 =	simm.s32 $0x80A0;
	[tilespmem:v4+s24+$0x0] =	vst.idx.add.f32.msk $0xffff, v6  }
0x163: {  	[tilespmem:v7+s14+$0x0] =	vst.idx.add.f32.msk $0xffff, v8  }
0x164: {  	v6 =	vld [tilespmem:s0+$0x10]  }
0x165: {  	v8 =	vld [tilespmem:s23+$0x430]  }
0x166: {  	[tilespmem:v5+s24+$0x0] =	vst.idx.add.f32.msk $0xffff, v10  }
0x167: {  	[tilespmem:v3+s14+$0x0] =	vst.idx.add.f32.msk $0xffff, v9  }
0x168: {  	v9 =	vld [tilespmem:s17+$0x10]  }
0x169: {  	[tilespmem:v4+s11+$0x0] =	vst.idx.add.f32.msk $0xffff, v6  }
0x16a: {  	[tilespmem:v7+s7+$0x0] =	vst.idx.add.f32.msk $0xffff, v8  }
0x16b: {  	v6 =	vld [tilespmem:s0+$0x20]  }
0x16c: {  	v8 =	vld [tilespmem:s23+$0x440]  }
0x16d: {  	[tilespmem:v5+s11+$0x0] =	vst.idx.add.f32.msk $0xffff, v9  }
0x16e: {  	v9 =	vld [tilespmem:s17+$0x20];
	_ =	sdelay $0x1  }
0x16f: {  	[tilespmem:v4+s1+$0x0] =	vst.idx.add.f32.msk $0xffff, v6  }
0x170: {  	[tilespmem:v7+s28+$0x0] =	vst.idx.add.f32.msk $0xffff, v8  }
0x171: {  	v8 =	vld [tilespmem:s23+$0x450]  }
0x172: {  	[tilespmem:v5+s1+$0x0] =	vst.idx.add.f32.msk $0xffff, v9  }
0x173: {  	v6 =	vld [tilespmem:s0+$0x30]  }
0x174: {  	v9 =	vld [tilespmem:s17+$0x30];
	_ =	sdelay $0x1  }
0x175: {  	[tilespmem:v7+s20+$0x0] =	vst.idx.add.f32.msk $0xffff, v8  }
0x176: {  	v8 =	vld [tilespmem:s23+$0x460]  }
0x177: {  	[tilespmem:v4+s3+$0x0] =	vst.idx.add.f32.msk $0xffff, v6  }
0x178: {  	[tilespmem:v5+s3+$0x0] =	vst.idx.add.f32.msk $0xffff, v9  }
0x179: {  	v6 =	vld [tilespmem:s0+$0x40]  }
0x17a: {  	v9 =	vld [tilespmem:s17+$0x40]  }
0x17b: {  	[tilespmem:v7+s21+$0x0] =	vst.idx.add.f32.msk $0xffff, v8  }
0x17c: {  	v8 =	vld [tilespmem:s23+$0x470]  }
0x17d: {  	v10 =	vld [tilespmem:s30+$0x430]  }
0x17e: {  	[tilespmem:v4+s4+$0x0] =	vst.idx.add.f32.msk $0xffff, v6  }
0x17f: {  	[tilespmem:v5+s4+$0x0] =	vst.idx.add.f32.msk $0xffff, v9  }
0x180: {  	v6 =	vld [tilespmem:s0+$0x50]  }
0x181: {  	[tilespmem:v7+s22+$0x0] =	vst.idx.add.f32.msk $0xffff, v8  }
0x182: {  	v7 =	vld [tilespmem:s17+$0x50]  }
0x183: {  	[tilespmem:v3+s7+$0x0] =	vst.idx.add.f32.msk $0xffff, v10  }
0x184: {  	v8 =	vld [tilespmem:s30+$0x440]  }
0x185: {  	[tilespmem:v4+s5+$0x0] =	vst.idx.add.f32.msk $0xffff, v6  }
0x186: {  	v6 =	vld [tilespmem:s0+$0x60]  }
0x187: {  	[tilespmem:v5+s5+$0x0] =	vst.idx.add.f32.msk $0xffff, v7  }
0x188: {  	v7 =	vld [tilespmem:s17+$0x60]  }
0x189: {  	[tilespmem:v3+s28+$0x0] =	vst.idx.add.f32.msk $0xffff, v8  }
0x18a: {  	v9 =	vld [tilespmem:s30+$0x450]  }
0x18b: {  	[tilespmem:v4+s9+$0x0] =	vst.idx.add.f32.msk $0xffff, v6  }
0x18c: {  	v6 =	vld [tilespmem:s0+$0x70]  }
0x18d: {  	[tilespmem:v5+s9+$0x0] =	vst.idx.add.f32.msk $0xffff, v7  }
0x18e: {  	v8 =	vld [tilespmem:s17+$0x70]  }
0x18f: {  	[tilespmem:v3+s20+$0x0] =	vst.idx.add.f32.msk $0xffff, v9  }
0x190: {  	v7 =	vld [tilespmem:s30+$0x460]  }
0x191: {  	s23 =	simm.s32 $0x2;
	[tilespmem:v4+s10+$0x0] =	vst.idx.add.f32.msk $0xffff, v6;
	v6 =	vmov v5  }
.LBB2_7:
0x192: {  	s6 =	sadd.s32 s23, s19;
	v9 =	vld [tilespmem:s0+$0x400]  }
0x193: {  	s8 =	sadd.s32 $0x2, s6;
	s6 =	sadd.s32 $0x3, s6;
	[tilespmem:v5+s10+$0x0] =	vst.idx.add.f32.msk $0xffff, v8  }
0x194: {  	s23 =	sadd.s32 $0x2, s23;
	v8 =	vmov s8;
	v10 =	vmov s6;
	v11 =	vld [tilespmem:s17+$0x400]  }
0x195: {  	p0 =	slt.u32 s23, $0x1E;
	v8 =	vand.u32 $0xFFFFFFFE, v8;
	[tilespmem:v3+s21+$0x0] =	vst.idx.add.f32.msk $0xffff, v7  }
0x196: {  	v7 =	vbroadcast v8, $0x0;
	v8 =	vld [tilespmem:s30+$0x470];
	s30 =	smov.u32 s17  }
0x197: {  	[tilespmem:v4+s12+$0x0] =	vst.idx.add.f32.msk $0xffff, v9  }
0x198: {  	v9 =	vld [tilespmem:s0+$0x410]  }
0x199: {  	v10 =	vld.idx.msk [tilespmem:v10+s29+$0x0], $0xffff  }
0x19a: {  	[tilespmem:v5+s12+$0x0] =	vst.idx.add.f32.msk $0xffff, v11  }
0x19b: {  	v11 =	vld [tilespmem:s30+$0x410]  }
0x19c: {  	v7 =	vld.idx.msk [tilespmem:v7+s29+$0x0], $0xffff  }
0x19d: {  	[tilespmem:v4+s13+$0x0] =	vst.idx.add.f32.msk $0xffff, v9  }
0x19e: {  	s16 =	sadd.s32 $0x100, s16;
	s2 =	sadd.s32 $0x200, s2;
	v9 =	vld [tilespmem:s0+$0x420]  }
0x19f: {  	s6 =	sand.u32 $0x1800, s2;
	s8 =	sadd.s32 $0xFFFFFF80, s16;
	s17 =	sand.u32 $0x380, s16;
	[tilespmem:v3+s22+$0x0] =	vst.idx.add.f32.msk $0xffff, v8;
	v3 =	vmov v5;
	v5 =	vadd.s32 v2, v10  }
0x1a0: {  	s8 =	sand.u32 $0x300, s8;
	s6 =	sor.u32 $0x14080, s6;
	[tilespmem:v6+s13+$0x0] =	vst.idx.add.f32.msk $0xffff, v11;
	v6 =	vmov v5  }
0x1a1: {  	s8 =	sor.u32 s8, s6;
	s17 =	sadd.s32 s17, s6;
	v8 =	vld [tilespmem:s30+$0x420]  }
0x1a2: {  	v7 =	vadd.s32 v2, v7;
	v10 =	vld [tilespmem:s8+$0x0]  }
0x1a3: {  	[tilespmem:v4+s14+$0x0] =	vst.idx.add.f32.msk $0xffff, v9  }
0x1a4: {  	v9 =	vld [tilespmem:s0+$0x430]  }
0x1a5: {  	v11 =	vld [tilespmem:s17+$0x0]  }
0x1a6: {  	[tilespmem:v3+s14+$0x0] =	vst.idx.add.f32.msk $0xffff, v8  }
0x1a7: {  	[tilespmem:v7+s24+$0x0] =	vst.idx.add.f32.msk $0xffff, v10  }
0x1a8: {  	v8 =	vld [tilespmem:s8+$0x10]  }
0x1a9: {  	[tilespmem:v4+s7+$0x0] =	vst.idx.add.f32.msk $0xffff, v9  }
0x1aa: {  	v9 =	vld [tilespmem:s0+$0x440]  }
0x1ab: {  	[tilespmem:v5+s24+$0x0] =	vst.idx.add.f32.msk $0xffff, v11  }
0x1ac: {  	v10 =	vld [tilespmem:s17+$0x10]  }
0x1ad: {  	[tilespmem:v7+s11+$0x0] =	vst.idx.add.f32.msk $0xffff, v8  }
0x1ae: {  	v8 =	vld [tilespmem:s8+$0x20]  }
0x1af: {  	[tilespmem:v4+s28+$0x0] =	vst.idx.add.f32.msk $0xffff, v9  }
0x1b0: {  	v9 =	vld [tilespmem:s0+$0x450]  }
0x1b1: {  	[tilespmem:v5+s11+$0x0] =	vst.idx.add.f32.msk $0xffff, v10  }
0x1b2: {  	v10 =	vld [tilespmem:s17+$0x20]  }
0x1b3: {  	[tilespmem:v7+s1+$0x0] =	vst.idx.add.f32.msk $0xffff, v8  }
0x1b4: {  	v8 =	vld [tilespmem:s8+$0x30]  }
0x1b5: {  	[tilespmem:v4+s20+$0x0] =	vst.idx.add.f32.msk $0xffff, v9  }
0x1b6: {  	v9 =	vld [tilespmem:s0+$0x460]  }
0x1b7: {  	[tilespmem:v5+s1+$0x0] =	vst.idx.add.f32.msk $0xffff, v10  }
0x1b8: {  	v10 =	vld [tilespmem:s17+$0x30]  }
0x1b9: {  	[tilespmem:v7+s3+$0x0] =	vst.idx.add.f32.msk $0xffff, v8  }
0x1ba: {  	v8 =	vld [tilespmem:s8+$0x40]  }
0x1bb: {  	[tilespmem:v4+s21+$0x0] =	vst.idx.add.f32.msk $0xffff, v9  }
0x1bc: {  	v9 =	vld [tilespmem:s0+$0x470];
	s0 =	smov.u32 s8  }
0x1bd: {  	[tilespmem:v5+s3+$0x0] =	vst.idx.add.f32.msk $0xffff, v10  }
0x1be: {  	v10 =	vld [tilespmem:s17+$0x40]  }
0x1bf: {  	v11 =	vld [tilespmem:s30+$0x430]  }
0x1c0: {  	[tilespmem:v7+s4+$0x0] =	vst.idx.add.f32.msk $0xffff, v8  }
0x1c1: {  	[tilespmem:v4+s22+$0x0] =	vst.idx.add.f32.msk $0xffff, v9;
	v4 =	vmov v7  }
0x1c2: {  	v7 =	vld [tilespmem:s0+$0x50]  }
0x1c3: {  	[tilespmem:v5+s4+$0x0] =	vst.idx.add.f32.msk $0xffff, v10  }
0x1c4: {  	v8 =	vld [tilespmem:s17+$0x50]  }
0x1c5: {  	[tilespmem:v3+s7+$0x0] =	vst.idx.add.f32.msk $0xffff, v11  }
0x1c6: {  	v9 =	vld [tilespmem:s30+$0x440]  }
0x1c7: {  	[tilespmem:v4+s5+$0x0] =	vst.idx.add.f32.msk $0xffff, v7  }
0x1c8: {  	v7 =	vld [tilespmem:s0+$0x60]  }
0x1c9: {  	[tilespmem:v5+s5+$0x0] =	vst.idx.add.f32.msk $0xffff, v8  }
0x1ca: {  	v8 =	vld [tilespmem:s17+$0x60]  }
0x1cb: {  	[tilespmem:v3+s28+$0x0] =	vst.idx.add.f32.msk $0xffff, v9  }
0x1cc: {  	v9 =	vld [tilespmem:s30+$0x450]  }
0x1cd: {  	[tilespmem:v4+s9+$0x0] =	vst.idx.add.f32.msk $0xffff, v7  }
0x1ce: {  	v10 =	vld [tilespmem:s0+$0x70]  }
.Ltmp2:
0x1cf: {  	[tilespmem:v5+s9+$0x0] =	vst.idx.add.f32.msk $0xffff, v8;
	(pc) =	sbr.rel @p0 .LBB2_7-.Ltmp2, $4  }
0x1d0: {  	v8 =	vld [tilespmem:s17+$0x70]  }
0x1d1: {  	[tilespmem:v3+s20+$0x0] =	vst.idx.add.f32.msk $0xffff, v9  }
0x1d2: {  	v7 =	vld [tilespmem:s30+$0x460]  }
0x1d3: {  	[tilespmem:v4+s10+$0x0] =	vst.idx.add.f32.msk $0xffff, v10  }
0x1d4: {  	_ =	sdelay $0x1  }
0x1d5: {  	v9 =	vld [tilespmem:s0+$0x400];
	_ =	sdelay $0x1  }
0x1d6: {  	[tilespmem:v5+s10+$0x0] =	vst.idx.add.f32.msk $0xffff, v8  }
0x1d7: {  	v8 =	vld [tilespmem:s17+$0x400];
	_ =	sdelay $0x1  }
0x1d8: {  	[tilespmem:v4+s12+$0x0] =	vst.idx.add.f32.msk $0xffff, v9  }
0x1d9: {  	v9 =	vld [tilespmem:s0+$0x410];
	_ =	sdelay $0x1  }
0x1da: {  	[tilespmem:v5+s12+$0x0] =	vst.idx.add.f32.msk $0xffff, v8  }
0x1db: {  	v8 =	vld [tilespmem:s17+$0x410];
	_ =	sdelay $0x1  }
0x1dc: {  	[tilespmem:v4+s13+$0x0] =	vst.idx.add.f32.msk $0xffff, v9  }
0x1dd: {  	v9 =	vld [tilespmem:s0+$0x420];
	_ =	sdelay $0x1  }
0x1de: {  	[tilespmem:v6+s13+$0x0] =	vst.idx.add.f32.msk $0xffff, v8  }
0x1df: {  	v6 =	vld [tilespmem:s17+$0x420];
	_ =	sdelay $0x1  }
0x1e0: {  	[tilespmem:v4+s14+$0x0] =	vst.idx.add.f32.msk $0xffff, v9  }
0x1e1: {  	v8 =	vld [tilespmem:s0+$0x430];
	_ =	sdelay $0x1  }
0x1e2: {  	[tilespmem:v5+s14+$0x0] =	vst.idx.add.f32.msk $0xffff, v6  }
0x1e3: {  	v6 =	vld [tilespmem:s17+$0x430];
	_ =	sdelay $0x1  }
0x1e4: {  	[tilespmem:v4+s7+$0x0] =	vst.idx.add.f32.msk $0xffff, v8  }
0x1e5: {  	v8 =	vld [tilespmem:s0+$0x440];
	_ =	sdelay $0x1  }
0x1e6: {  	[tilespmem:v5+s7+$0x0] =	vst.idx.add.f32.msk $0xffff, v6  }
0x1e7: {  	v6 =	vld [tilespmem:s17+$0x440];
	_ =	sdelay $0x1  }
0x1e8: {  	[tilespmem:v4+s28+$0x0] =	vst.idx.add.f32.msk $0xffff, v8  }
0x1e9: {  	v8 =	vld [tilespmem:s0+$0x450];
	_ =	sdelay $0x1  }
0x1ea: {  	[tilespmem:v5+s28+$0x0] =	vst.idx.add.f32.msk $0xffff, v6  }
0x1eb: {  	v6 =	vld [tilespmem:s17+$0x450];
	_ =	sdelay $0x1  }
0x1ec: {  	[tilespmem:v4+s20+$0x0] =	vst.idx.add.f32.msk $0xffff, v8  }
0x1ed: {  	v8 =	vld [tilespmem:s0+$0x460]  }
0x1ee: {  	[tilespmem:v3+s21+$0x0] =	vst.idx.add.f32.msk $0xffff, v7  }
0x1ef: {  	[tilespmem:v5+s20+$0x0] =	vst.idx.add.f32.msk $0xffff, v6  }
0x1f0: {  	v6 =	vld [tilespmem:s17+$0x460]  }
0x1f1: {  	v7 =	vld [tilespmem:s30+$0x470]  }
0x1f2: {  	[tilespmem:v4+s21+$0x0] =	vst.idx.add.f32.msk $0xffff, v8  }
0x1f3: {  	v8 =	vld [tilespmem:s0+$0x470];
	_ =	sdelay $0x1  }
0x1f4: {  	[tilespmem:v5+s21+$0x0] =	vst.idx.add.f32.msk $0xffff, v6  }
0x1f5: {  	v6 =	vld [tilespmem:s17+$0x470]  }
0x1f6: {  	s0 =	rddreg [dreg:$0x10];
	[tilespmem:v3+s22+$0x0] =	vst.idx.add.f32.msk $0xffff, v7  }
0x1f7: {  	s16 =	rddreg [dreg:$0x1];
	p0 =	seq.s32 s0, $0x1F;
	[tilespmem:v4+s22+$0x0] =	vst.idx.add.f32.msk $0xffff, v8  }
0x1f8: {  	s11 =	sadd.s32 $0xFFFFFFFE, s19;
	s0 =	sshll.u32 @!p0 s0, $0xB;
	s2 =	rddreg [dreg:$0xa]  }
0x1f9: {  	s12 =	sadd.s32 $0x22, s11;
	s0 =	sadd.s32 @!p0 s0, s2;
	s2 =	rddreg [dreg:$0x0]  }
0x1fa: {  	s6 =	simm.s32 @!p0 $0x0;
	s8 =	simm.s32 @!p0 $0x10080;
	[tilespmem:v5+s22+$0x0] =	vst.idx.add.f32.msk $0xffff, v6;
	s2 =	sadd.s32 @!p0 s2, s0  }
0x1fb: {  	[tilespmem:s8], [sflag:$0x1] =	stream.linear.gather @!p0 [hbm4b:s2+s6], $0x2000, $0x38;
	[tilespmem:$0x19880] =	vst v63  }
0x1fc: {  	s13 =	simm.s32 $0x2;
	v3 =	vmov s12;
	s0 =	sadd.s32 @!p0 s16, s0;
	s16 =	simm.s32 @!p0 $0x14080  }
0x1fd: {  	v3 =	vand.u32 $0xFFFFFFFE, v3;
	[tilespmem:s16], [sflag:$0x3] =	stream.linear.gather @!p0 [hbm4b:s0+s6], $0x2000, $0x38;
	[tilespmem:$0x19880] =	vst v63  }
0x1fe: {  	v3 =	vbroadcast v3, $0x0;
	_ =	swait.ge [sflag:s13], $0x2000  }
0x1ff: {  	[sflag:s13] =	ssyncset.done $0x0  }
0x200: {  	s14 =	simm.s32 $0x4;
	[sflag:s13] =	ssyncadd.s32 $0xFFFFE000  }
0x201: {  	s15 =	sadd.s32 $0x23, s11;
	_ =	swait.ge [sflag:s14], $0x2000  }
0x202: {  	v4 =	vmov s15;
	[sflag:s14] =	ssyncset.done $0x0  }
0x203: {  	[sflag:s14] =	ssyncadd.s32 $0xFFFFE000  }
0x204: {  	v5 =	vld.idx.msk [tilespmem:v3+s29+$0x0], $0xffff  }
0x205: {  	s31 =	simm.s32 $0x0  }
0x206: {  	s7 =	sand.u32 $0x1800, s31;
	s16 =	simm.s32 $0x0  }
0x207: {  	s17 =	sor.u32 $0x12080, s7;
	s20 =	sand.u32 $0x300, s16;
	v6 =	vld.idx.msk [tilespmem:v4+s29+$0x0], $0xffff  }
0x208: {  	s24 =	sor.u32 s20, s17  }
0x209: {  	s0 =	simm.s32 $0x80;
	v10 =	vadd.s32 v2, v5;
	v5 =	vld [tilespmem:s24+$0x0]  }
0x20a: {  	s21 =	sand.u32 $0x380, s0  }
0x20b: {  	s30 =	sadd.s32 s21, s17  }
0x20c: {  	v7 =	vadd.s32 v2, v6;
	v6 =	vld [tilespmem:s30+$0x0];
	_ =	sdelay $0x1  }
0x20d: {  	[tilespmem:v10+s31+$0x0] =	vst.idx.add.f32.msk $0xffff, v5  }
0x20e: {  	v5 =	vld [tilespmem:s24+$0x10];
	_ =	sdelay $0x1  }
0x20f: {  	[tilespmem:v7+s31+$0x0] =	vst.idx.add.f32.msk $0xffff, v6  }
0x210: {  	v6 =	vld [tilespmem:s30+$0x10]  }
0x211: {  	s9 =	simm.s32 $0x10  }
0x212: {  	[tilespmem:v10+s9+$0x0] =	vst.idx.add.f32.msk $0xffff, v5  }
0x213: {  	v5 =	vld [tilespmem:s24+$0x20];
	_ =	sdelay $0x1  }
0x214: {  	[tilespmem:v7+s9+$0x0] =	vst.idx.add.f32.msk $0xffff, v6  }
0x215: {  	v6 =	vld [tilespmem:s30+$0x20]  }
0x216: {  	s10 =	simm.s32 $0x20  }
0x217: {  	[tilespmem:v10+s10+$0x0] =	vst.idx.add.f32.msk $0xffff, v5  }
0x218: {  	v5 =	vld [tilespmem:s24+$0x30];
	_ =	sdelay $0x1  }
0x219: {  	[tilespmem:v7+s10+$0x0] =	vst.idx.add.f32.msk $0xffff, v6  }
0x21a: {  	v6 =	vld [tilespmem:s30+$0x30]  }
0x21b: {  	s12 =	simm.s32 $0x30  }
0x21c: {  	[tilespmem:v10+s12+$0x0] =	vst.idx.add.f32.msk $0xffff, v5  }
0x21d: {  	v5 =	vld [tilespmem:s24+$0x40];
	_ =	sdelay $0x1  }
0x21e: {  	[tilespmem:v7+s12+$0x0] =	vst.idx.add.f32.msk $0xffff, v6  }
0x21f: {  	v6 =	vld [tilespmem:s30+$0x40]  }
0x220: {  	s13 =	simm.s32 $0x40  }
0x221: {  	[tilespmem:v10+s13+$0x0] =	vst.idx.add.f32.msk $0xffff, v5  }
0x222: {  	v5 =	vld [tilespmem:s24+$0x50];
	_ =	sdelay $0x1  }
0x223: {  	[tilespmem:v7+s13+$0x0] =	vst.idx.add.f32.msk $0xffff, v6  }
0x224: {  	v6 =	vld [tilespmem:s30+$0x50]  }
0x225: {  	s14 =	simm.s32 $0x50  }
0x226: {  	[tilespmem:v10+s14+$0x0] =	vst.idx.add.f32.msk $0xffff, v5  }
0x227: {  	v5 =	vld [tilespmem:s24+$0x60];
	_ =	sdelay $0x1  }
0x228: {  	[tilespmem:v7+s14+$0x0] =	vst.idx.add.f32.msk $0xffff, v6  }
0x229: {  	v6 =	vld [tilespmem:s30+$0x60]  }
0x22a: {  	s15 =	simm.s32 $0x60  }
0x22b: {  	[tilespmem:v10+s15+$0x0] =	vst.idx.add.f32.msk $0xffff, v5  }
0x22c: {  	v5 =	vld [tilespmem:s24+$0x70];
	_ =	sdelay $0x1  }
0x22d: {  	[tilespmem:v7+s15+$0x0] =	vst.idx.add.f32.msk $0xffff, v6  }
0x22e: {  	v6 =	vld [tilespmem:s30+$0x70]  }
0x22f: {  	s5 =	simm.s32 $0x70  }
0x230: {  	[tilespmem:v10+s5+$0x0] =	vst.idx.add.f32.msk $0xffff, v5  }
0x231: {  	s18 =	sadd.s32 $0x0, s19;
	v5 =	vld [tilespmem:s24+$0x400]  }
0x232: {  	s22 =	sadd.s32 $0x22, s18  }
0x233: {  	[tilespmem:v7+s5+$0x0] =	vst.idx.add.f32.msk $0xffff, v6;
	v6 =	vmov s22  }
0x234: {  	v8 =	vld [tilespmem:s30+$0x400];
	v6 =	vand.u32 $0xFFFFFFFE, v6  }
0x235: {  	v6 =	vbroadcast v6, $0x0  }
0x236: {  	[tilespmem:v10+s0+$0x0] =	vst.idx.add.f32.msk $0xffff, v5  }
0x237: {  	v9 =	vld [tilespmem:s24+$0x410]  }
0x238: {  	s2 =	sadd.s32 $0x23, s18  }
0x239: {  	v5 =	vmov s2;
	[tilespmem:v7+s0+$0x0] =	vst.idx.add.f32.msk $0xffff, v8  }
0x23a: {  	v8 =	vld [tilespmem:s30+$0x410]  }
0x23b: {  	s4 =	simm.s32 $0x90;
	v11 =	vld.idx.msk [tilespmem:v6+s29+$0x0], $0xffff  }
0x23c: {  	[tilespmem:v10+s4+$0x0] =	vst.idx.add.f32.msk $0xffff, v9  }
0x23d: {  	s16 =	simm.s32 $0x200;
	v9 =	vld [tilespmem:s24+$0x420]  }
0x23e: {  	s25 =	simm.s32 $0x100;
	s23 =	sand.u32 $0x1800, s16;
	v12 =	vld.idx.msk [tilespmem:v5+s29+$0x0], $0xffff  }
0x23f: {  	s6 =	sand.u32 $0x300, s25;
	s26 =	sor.u32 $0x12080, s23;
	[tilespmem:v7+s4+$0x0] =	vst.idx.add.f32.msk $0xffff, v8  }
0x240: {  	s2 =	sor.u32 s6, s26;
	v13 =	vld [tilespmem:s30+$0x420]  }
0x241: {  	s18 =	simm.s32 $0xA0;
	s17 =	simm.s32 $0x180;
	v8 =	vadd.s32 v2, v11;
	v11 =	vld [tilespmem:s2+$0x0]  }
0x242: {  	s28 =	sand.u32 $0x380, s17;
	[tilespmem:v10+s18+$0x0] =	vst.idx.add.f32.msk $0xffff, v9  }
0x243: {  	s23 =	sadd.s32 s28, s26;
	v14 =	vld [tilespmem:s24+$0x430]  }
0x244: {  	v15 =	vld [tilespmem:s23+$0x0]  }
0x245: {  	v9 =	vadd.s32 v2, v12;
	[tilespmem:v7+s18+$0x0] =	vst.idx.add.f32.msk $0xffff, v13  }
0x246: {  	[tilespmem:v8+s31+$0x0] =	vst.idx.add.f32.msk $0xffff, v11  }
0x247: {  	s25 =	simm.s32 $0xB0;
	v11 =	vld [tilespmem:s2+$0x10]  }
0x248: {  	[tilespmem:v10+s25+$0x0] =	vst.idx.add.f32.msk $0xffff, v14  }
0x249: {  	v12 =	vld [tilespmem:s24+$0x440]  }
0x24a: {  	[tilespmem:v9+s31+$0x0] =	vst.idx.add.f32.msk $0xffff, v15  }
0x24b: {  	v13 =	vld [tilespmem:s23+$0x10]  }
0x24c: {  	[tilespmem:v8+s9+$0x0] =	vst.idx.add.f32.msk $0xffff, v11  }
0x24d: {  	s26 =	simm.s32 $0xC0;
	v11 =	vld [tilespmem:s2+$0x20]  }
0x24e: {  	[tilespmem:v10+s26+$0x0] =	vst.idx.add.f32.msk $0xffff, v12  }
0x24f: {  	v12 =	vld [tilespmem:s24+$0x450]  }
0x250: {  	[tilespmem:v9+s9+$0x0] =	vst.idx.add.f32.msk $0xffff, v13  }
0x251: {  	v13 =	vld [tilespmem:s23+$0x20]  }
0x252: {  	[tilespmem:v8+s10+$0x0] =	vst.idx.add.f32.msk $0xffff, v11  }
0x253: {  	s1 =	simm.s32 $0xD0;
	v11 =	vld [tilespmem:s2+$0x30]  }
0x254: {  	[tilespmem:v10+s1+$0x0] =	vst.idx.add.f32.msk $0xffff, v12  }
0x255: {  	v12 =	vld [tilespmem:s24+$0x460]  }
0x256: {  	[tilespmem:v9+s10+$0x0] =	vst.idx.add.f32.msk $0xffff, v13  }
0x257: {  	v13 =	vld [tilespmem:s23+$0x30]  }
0x258: {  	[tilespmem:v8+s12+$0x0] =	vst.idx.add.f32.msk $0xffff, v11  }
0x259: {  	s3 =	simm.s32 $0xE0;
	v11 =	vld [tilespmem:s2+$0x40]  }
0x25a: {  	[tilespmem:v10+s3+$0x0] =	vst.idx.add.f32.msk $0xffff, v12  }
0x25b: {  	v12 =	vld [tilespmem:s24+$0x470]  }
0x25c: {  	[tilespmem:v9+s12+$0x0] =	vst.idx.add.f32.msk $0xffff, v13  }
0x25d: {  	v13 =	vld [tilespmem:s23+$0x40]  }
0x25e: {  	v14 =	vld [tilespmem:s30+$0x430]  }
0x25f: {  	s11 =	simm.s32 $0xF0;
	[tilespmem:v8+s13+$0x0] =	vst.idx.add.f32.msk $0xffff, v11  }
0x260: {  	[tilespmem:v10+s11+$0x0] =	vst.idx.add.f32.msk $0xffff, v12  }
0x261: {  	v10 =	vld [tilespmem:s2+$0x50]  }
0x262: {  	[tilespmem:v9+s13+$0x0] =	vst.idx.add.f32.msk $0xffff, v13  }
0x263: {  	v11 =	vld [tilespmem:s23+$0x50]  }
0x264: {  	[tilespmem:v7+s25+$0x0] =	vst.idx.add.f32.msk $0xffff, v14  }
0x265: {  	v12 =	vld [tilespmem:s30+$0x440]  }
0x266: {  	[tilespmem:v8+s14+$0x0] =	vst.idx.add.f32.msk $0xffff, v10  }
0x267: {  	v10 =	vld [tilespmem:s2+$0x60]  }
0x268: {  	[tilespmem:v9+s14+$0x0] =	vst.idx.add.f32.msk $0xffff, v11  }
0x269: {  	v11 =	vld [tilespmem:s23+$0x60]  }
0x26a: {  	[tilespmem:v7+s26+$0x0] =	vst.idx.add.f32.msk $0xffff, v12  }
0x26b: {  	v13 =	vld [tilespmem:s30+$0x450]  }
0x26c: {  	[tilespmem:v8+s15+$0x0] =	vst.idx.add.f32.msk $0xffff, v10  }
0x26d: {  	v10 =	vld [tilespmem:s2+$0x70]  }
0x26e: {  	[tilespmem:v9+s15+$0x0] =	vst.idx.add.f32.msk $0xffff, v11  }
0x26f: {  	v12 =	vld [tilespmem:s23+$0x70]  }
0x270: {  	[tilespmem:v7+s1+$0x0] =	vst.idx.add.f32.msk $0xffff, v13  }
0x271: {  	v11 =	vld [tilespmem:s30+$0x460]  }
0x272: {  	s24 =	simm.s32 $0x2;
	[tilespmem:v8+s5+$0x0] =	vst.idx.add.f32.msk $0xffff, v10;
	v10 =	vmov v9  }
.LBB2_9:
0x273: {  	s6 =	sadd.s32 s24, s19;
	v13 =	vld [tilespmem:s2+$0x400]  }
0x274: {  	s8 =	sadd.s32 $0x22, s6;
	s6 =	sadd.s32 $0x23, s6;
	[tilespmem:v9+s5+$0x0] =	vst.idx.add.f32.msk $0xffff, v12  }
0x275: {  	s24 =	sadd.s32 $0x2, s24;
	v12 =	vmov s8;
	v14 =	vmov s6;
	v15 =	vld [tilespmem:s23+$0x400]  }
0x276: {  	p0 =	slt.u32 s24, $0x1E;
	v12 =	vand.u32 $0xFFFFFFFE, v12;
	[tilespmem:v7+s3+$0x0] =	vst.idx.add.f32.msk $0xffff, v11  }
0x277: {  	v11 =	vbroadcast v12, $0x0;
	v12 =	vld [tilespmem:s30+$0x470];
	s30 =	smov.u32 s23  }
0x278: {  	[tilespmem:v8+s0+$0x0] =	vst.idx.add.f32.msk $0xffff, v13  }
0x279: {  	v13 =	vld [tilespmem:s2+$0x410]  }
0x27a: {  	v14 =	vld.idx.msk [tilespmem:v14+s29+$0x0], $0xffff  }
0x27b: {  	[tilespmem:v9+s0+$0x0] =	vst.idx.add.f32.msk $0xffff, v15  }
0x27c: {  	v15 =	vld [tilespmem:s30+$0x410]  }
0x27d: {  	v11 =	vld.idx.msk [tilespmem:v11+s29+$0x0], $0xffff  }
0x27e: {  	[tilespmem:v8+s4+$0x0] =	vst.idx.add.f32.msk $0xffff, v13  }
0x27f: {  	s17 =	sadd.s32 $0x100, s17;
	s16 =	sadd.s32 $0x200, s16;
	v13 =	vld [tilespmem:s2+$0x420]  }
0x280: {  	s6 =	sand.u32 $0x1800, s16;
	s8 =	sadd.s32 $0xFFFFFF80, s17;
	s23 =	sand.u32 $0x380, s17;
	[tilespmem:v7+s11+$0x0] =	vst.idx.add.f32.msk $0xffff, v12;
	v7 =	vmov v9;
	v9 =	vadd.s32 v2, v14  }
0x281: {  	s8 =	sand.u32 $0x300, s8;
	s6 =	sor.u32 $0x12080, s6;
	[tilespmem:v10+s4+$0x0] =	vst.idx.add.f32.msk $0xffff, v15;
	v10 =	vmov v9  }
0x282: {  	s8 =	sor.u32 s8, s6;
	s23 =	sadd.s32 s23, s6;
	v12 =	vld [tilespmem:s30+$0x420]  }
0x283: {  	v11 =	vadd.s32 v2, v11;
	v14 =	vld [tilespmem:s8+$0x0]  }
0x284: {  	[tilespmem:v8+s18+$0x0] =	vst.idx.add.f32.msk $0xffff, v13  }
0x285: {  	v13 =	vld [tilespmem:s2+$0x430]  }
0x286: {  	v15 =	vld [tilespmem:s23+$0x0]  }
0x287: {  	[tilespmem:v7+s18+$0x0] =	vst.idx.add.f32.msk $0xffff, v12  }
0x288: {  	[tilespmem:v11+s31+$0x0] =	vst.idx.add.f32.msk $0xffff, v14  }
0x289: {  	v12 =	vld [tilespmem:s8+$0x10]  }
0x28a: {  	[tilespmem:v8+s25+$0x0] =	vst.idx.add.f32.msk $0xffff, v13  }
0x28b: {  	v13 =	vld [tilespmem:s2+$0x440]  }
0x28c: {  	[tilespmem:v9+s31+$0x0] =	vst.idx.add.f32.msk $0xffff, v15  }
0x28d: {  	v14 =	vld [tilespmem:s23+$0x10]  }
0x28e: {  	[tilespmem:v11+s9+$0x0] =	vst.idx.add.f32.msk $0xffff, v12  }
0x28f: {  	v12 =	vld [tilespmem:s8+$0x20]  }
0x290: {  	[tilespmem:v8+s26+$0x0] =	vst.idx.add.f32.msk $0xffff, v13  }
0x291: {  	v13 =	vld [tilespmem:s2+$0x450]  }
0x292: {  	[tilespmem:v9+s9+$0x0] =	vst.idx.add.f32.msk $0xffff, v14  }
0x293: {  	v14 =	vld [tilespmem:s23+$0x20]  }
0x294: {  	[tilespmem:v11+s10+$0x0] =	vst.idx.add.f32.msk $0xffff, v12  }
0x295: {  	v12 =	vld [tilespmem:s8+$0x30]  }
0x296: {  	[tilespmem:v8+s1+$0x0] =	vst.idx.add.f32.msk $0xffff, v13  }
0x297: {  	v13 =	vld [tilespmem:s2+$0x460]  }
0x298: {  	[tilespmem:v9+s10+$0x0] =	vst.idx.add.f32.msk $0xffff, v14  }
0x299: {  	v14 =	vld [tilespmem:s23+$0x30]  }
0x29a: {  	[tilespmem:v11+s12+$0x0] =	vst.idx.add.f32.msk $0xffff, v12  }
0x29b: {  	v12 =	vld [tilespmem:s8+$0x40]  }
0x29c: {  	[tilespmem:v8+s3+$0x0] =	vst.idx.add.f32.msk $0xffff, v13  }
0x29d: {  	v13 =	vld [tilespmem:s2+$0x470];
	s2 =	smov.u32 s8  }
0x29e: {  	[tilespmem:v9+s12+$0x0] =	vst.idx.add.f32.msk $0xffff, v14  }
0x29f: {  	v14 =	vld [tilespmem:s23+$0x40]  }
0x2a0: {  	v15 =	vld [tilespmem:s30+$0x430]  }
0x2a1: {  	[tilespmem:v11+s13+$0x0] =	vst.idx.add.f32.msk $0xffff, v12  }
0x2a2: {  	[tilespmem:v8+s11+$0x0] =	vst.idx.add.f32.msk $0xffff, v13;
	v8 =	vmov v11  }
0x2a3: {  	v11 =	vld [tilespmem:s2+$0x50]  }
0x2a4: {  	[tilespmem:v9+s13+$0x0] =	vst.idx.add.f32.msk $0xffff, v14  }
0x2a5: {  	v12 =	vld [tilespmem:s23+$0x50]  }
0x2a6: {  	[tilespmem:v7+s25+$0x0] =	vst.idx.add.f32.msk $0xffff, v15  }
0x2a7: {  	v13 =	vld [tilespmem:s30+$0x440]  }
0x2a8: {  	[tilespmem:v8+s14+$0x0] =	vst.idx.add.f32.msk $0xffff, v11  }
0x2a9: {  	v11 =	vld [tilespmem:s2+$0x60]  }
0x2aa: {  	[tilespmem:v9+s14+$0x0] =	vst.idx.add.f32.msk $0xffff, v12  }
0x2ab: {  	v12 =	vld [tilespmem:s23+$0x60]  }
0x2ac: {  	[tilespmem:v7+s26+$0x0] =	vst.idx.add.f32.msk $0xffff, v13  }
0x2ad: {  	v13 =	vld [tilespmem:s30+$0x450]  }
0x2ae: {  	[tilespmem:v8+s15+$0x0] =	vst.idx.add.f32.msk $0xffff, v11  }
0x2af: {  	v14 =	vld [tilespmem:s2+$0x70]  }
.Ltmp3:
0x2b0: {  	[tilespmem:v9+s15+$0x0] =	vst.idx.add.f32.msk $0xffff, v12;
	(pc) =	sbr.rel @p0 .LBB2_9-.Ltmp3, $4  }
0x2b1: {  	v12 =	vld [tilespmem:s23+$0x70]  }
0x2b2: {  	[tilespmem:v7+s1+$0x0] =	vst.idx.add.f32.msk $0xffff, v13  }
0x2b3: {  	v11 =	vld [tilespmem:s30+$0x460]  }
0x2b4: {  	[tilespmem:v8+s5+$0x0] =	vst.idx.add.f32.msk $0xffff, v14  }
0x2b5: {  	_ =	sdelay $0x2  }
0x2b6: {  	v13 =	vld [tilespmem:s2+$0x400]  }
0x2b7: {  	[tilespmem:v9+s5+$0x0] =	vst.idx.add.f32.msk $0xffff, v12  }
0x2b8: {  	v12 =	vld [tilespmem:s23+$0x400];
	_ =	sdelay $0x2  }
0x2b9: {  	[tilespmem:v8+s0+$0x0] =	vst.idx.add.f32.msk $0xffff, v13  }
0x2ba: {  	v13 =	vld [tilespmem:s2+$0x410]  }
0x2bb: {  	[tilespmem:v9+s0+$0x0] =	vst.idx.add.f32.msk $0xffff, v12  }
0x2bc: {  	v12 =	vld [tilespmem:s23+$0x410];
	_ =	sdelay $0x2  }
0x2bd: {  	[tilespmem:v8+s4+$0x0] =	vst.idx.add.f32.msk $0xffff, v13  }
0x2be: {  	v13 =	vld [tilespmem:s2+$0x420]  }
0x2bf: {  	[tilespmem:v10+s4+$0x0] =	vst.idx.add.f32.msk $0xffff, v12  }
0x2c0: {  	v10 =	vld [tilespmem:s23+$0x420];
	_ =	sdelay $0x2  }
0x2c1: {  	[tilespmem:v8+s18+$0x0] =	vst.idx.add.f32.msk $0xffff, v13  }
0x2c2: {  	v63 =	vld [tilespmem:s2+$0x430]  }
0x2c3: {  	[tilespmem:v9+s18+$0x0] =	vst.idx.add.f32.msk $0xffff, v10  }
0x2c4: {  	v10 =	vld [tilespmem:s23+$0x430];
	_ =	sdelay $0x2  }
0x2c5: {  	[tilespmem:v8+s25+$0x0] =	vst.idx.add.f32.msk $0xffff, v63  }
0x2c6: {  	v12 =	vld [tilespmem:s2+$0x440]  }
0x2c7: {  	[tilespmem:v9+s25+$0x0] =	vst.idx.add.f32.msk $0xffff, v10  }
0x2c8: {  	v10 =	vld [tilespmem:s23+$0x440];
	_ =	sdelay $0x2  }
0x2c9: {  	[tilespmem:v8+s26+$0x0] =	vst.idx.add.f32.msk $0xffff, v12  }
0x2ca: {  	v12 =	vld [tilespmem:s2+$0x450]  }
0x2cb: {  	[tilespmem:v9+s26+$0x0] =	vst.idx.add.f32.msk $0xffff, v10  }
0x2cc: {  	v10 =	vld [tilespmem:s23+$0x450];
	_ =	sdelay $0x2  }
0x2cd: {  	[tilespmem:v8+s1+$0x0] =	vst.idx.add.f32.msk $0xffff, v12  }
0x2ce: {  	v12 =	vld [tilespmem:s2+$0x460]  }
0x2cf: {  	[tilespmem:v9+s1+$0x0] =	vst.idx.add.f32.msk $0xffff, v10  }
0x2d0: {  	v10 =	vld [tilespmem:s23+$0x460]  }
0x2d1: {  	[tilespmem:v7+s3+$0x0] =	vst.idx.add.f32.msk $0xffff, v11  }
0x2d2: {  	v11 =	vld [tilespmem:s30+$0x470]  }
0x2d3: {  	[tilespmem:v8+s3+$0x0] =	vst.idx.add.f32.msk $0xffff, v12  }
0x2d4: {  	v12 =	vld [tilespmem:s2+$0x470]  }
0x2d5: {  	[tilespmem:v9+s3+$0x0] =	vst.idx.add.f32.msk $0xffff, v10  }
0x2d6: {  	v10 =	vld [tilespmem:s23+$0x470];
	_ =	sdelay $0x2  }
0x2d7: {  	[tilespmem:v7+s11+$0x0] =	vst.idx.add.f32.msk $0xffff, v11  }
0x2d8: {  	[tilespmem:v8+s11+$0x0] =	vst.idx.add.f32.msk $0xffff, v12  }
0x2d9: {  	[tilespmem:v9+s11+$0x0] =	vst.idx.add.f32.msk $0xffff, v10  }
0x2da: {  	v3 =	vld.idx.msk [tilespmem:v3+s29+$0x0], $0xffff  }
0x2db: {  	v4 =	vld.idx.msk [tilespmem:v4+s29+$0x0], $0xffff;
	_ =	sdelay $0x1  }
0x2dc: {  	s17 =	sor.u32 $0x16080, s7  }
0x2dd: {  	s18 =	sor.u32 s20, s17  }
0x2de: {  	s30 =	sadd.s32 s21, s17;
	v8 =	vld [tilespmem:s18+$0x0];
	v7 =	vadd.s32 v2, v3  }
0x2df: {  	v3 =	vadd.s32 v2, v4;
	v4 =	vld [tilespmem:s30+$0x0];
	_ =	sdelay $0x2  }
0x2e0: {  	s24 =	simm.s32 $0x8000  }
0x2e1: {  	[tilespmem:v7+s24+$0x0] =	vst.idx.add.f32.msk $0xffff, v8  }
0x2e2: {  	[tilespmem:v3+s24+$0x0] =	vst.idx.add.f32.msk $0xffff, v4  }
0x2e3: {  	v8 =	vld [tilespmem:s18+$0x10]  }
0x2e4: {  	v4 =	vld [tilespmem:s30+$0x10];
	_ =	sdelay $0x2  }
0x2e5: {  	s11 =	simm.s32 $0x8010  }
0x2e6: {  	[tilespmem:v7+s11+$0x0] =	vst.idx.add.f32.msk $0xffff, v8  }
0x2e7: {  	[tilespmem:v3+s11+$0x0] =	vst.idx.add.f32.msk $0xffff, v4  }
0x2e8: {  	v8 =	vld [tilespmem:s18+$0x20]  }
0x2e9: {  	v4 =	vld [tilespmem:s30+$0x20];
	_ =	sdelay $0x2  }
0x2ea: {  	s5 =	simm.s32 $0x8020  }
0x2eb: {  	[tilespmem:v7+s5+$0x0] =	vst.idx.add.f32.msk $0xffff, v8  }
0x2ec: {  	[tilespmem:v3+s5+$0x0] =	vst.idx.add.f32.msk $0xffff, v4  }
0x2ed: {  	v8 =	vld [tilespmem:s18+$0x30]  }
0x2ee: {  	v4 =	vld [tilespmem:s30+$0x30];
	_ =	sdelay $0x2  }
0x2ef: {  	s9 =	simm.s32 $0x8030  }
0x2f0: {  	[tilespmem:v7+s9+$0x0] =	vst.idx.add.f32.msk $0xffff, v8  }
0x2f1: {  	[tilespmem:v3+s9+$0x0] =	vst.idx.add.f32.msk $0xffff, v4  }
0x2f2: {  	v8 =	vld [tilespmem:s18+$0x40]  }
0x2f3: {  	v4 =	vld [tilespmem:s30+$0x40];
	_ =	sdelay $0x2  }
0x2f4: {  	s10 =	simm.s32 $0x8040  }
0x2f5: {  	[tilespmem:v7+s10+$0x0] =	vst.idx.add.f32.msk $0xffff, v8  }
0x2f6: {  	[tilespmem:v3+s10+$0x0] =	vst.idx.add.f32.msk $0xffff, v4  }
0x2f7: {  	v8 =	vld [tilespmem:s18+$0x50]  }
0x2f8: {  	v4 =	vld [tilespmem:s30+$0x50];
	_ =	sdelay $0x2  }
0x2f9: {  	s12 =	simm.s32 $0x8050  }
0x2fa: {  	[tilespmem:v7+s12+$0x0] =	vst.idx.add.f32.msk $0xffff, v8  }
0x2fb: {  	[tilespmem:v3+s12+$0x0] =	vst.idx.add.f32.msk $0xffff, v4  }
0x2fc: {  	v8 =	vld [tilespmem:s18+$0x60]  }
0x2fd: {  	v4 =	vld [tilespmem:s30+$0x60];
	_ =	sdelay $0x2  }
0x2fe: {  	s13 =	simm.s32 $0x8060  }
0x2ff: {  	[tilespmem:v7+s13+$0x0] =	vst.idx.add.f32.msk $0xffff, v8  }
0x300: {  	[tilespmem:v3+s13+$0x0] =	vst.idx.add.f32.msk $0xffff, v4  }
0x301: {  	v8 =	vld [tilespmem:s18+$0x70]  }
0x302: {  	v4 =	vld [tilespmem:s30+$0x70];
	_ =	sdelay $0x2  }
0x303: {  	s14 =	simm.s32 $0x8070  }
0x304: {  	[tilespmem:v7+s14+$0x0] =	vst.idx.add.f32.msk $0xffff, v8  }
0x305: {  	[tilespmem:v3+s14+$0x0] =	vst.idx.add.f32.msk $0xffff, v4  }
0x306: {  	v8 =	vld [tilespmem:s18+$0x400]  }
0x307: {  	v4 =	vld [tilespmem:s30+$0x400];
	_ =	sdelay $0x2  }
0x308: {  	s15 =	simm.s32 $0x8080  }
0x309: {  	[tilespmem:v7+s15+$0x0] =	vst.idx.add.f32.msk $0xffff, v8  }
0x30a: {  	[tilespmem:v3+s15+$0x0] =	vst.idx.add.f32.msk $0xffff, v4  }
0x30b: {  	v8 =	vld [tilespmem:s18+$0x410]  }
0x30c: {  	v4 =	vld [tilespmem:s30+$0x410]  }
0x30d: {  	v6 =	vld.idx.msk [tilespmem:v6+s29+$0x0], $0xffff  }
0x30e: {  	s2 =	simm.s32 $0x200  }
0x30f: {  	s31 =	simm.s32 $0x8090;
	s6 =	simm.s32 $0x100;
	s25 =	sand.u32 $0x1800, s2;
	v5 =	vld.idx.msk [tilespmem:v5+s29+$0x0], $0xffff  }
0x310: {  	s6 =	sand.u32 $0x300, s6;
	s8 =	sor.u32 $0x16080, s25;
	[tilespmem:v7+s31+$0x0] =	vst.idx.add.f32.msk $0xffff, v8  }
0x311: {  	s0 =	sor.u32 s6, s8;
	[tilespmem:v3+s31+$0x0] =	vst.idx.add.f32.msk $0xffff, v4  }
0x312: {  	s16 =	simm.s32 $0x180;
	v4 =	vadd.s32 v2, v6;
	v6 =	vld [tilespmem:s0+$0x0]  }
0x313: {  	s26 =	sand.u32 $0x380, s16;
	v8 =	vld [tilespmem:s18+$0x420]  }
0x314: {  	s17 =	sadd.s32 s26, s8  }
0x315: {  	v10 =	vld [tilespmem:s17+$0x0]  }
0x316: {  	v5 =	vadd.s32 v2, v5;
	v9 =	vld [tilespmem:s30+$0x420]  }
0x317: {  	s7 =	simm.s32 $0x80A0;
	[tilespmem:v4+s24+$0x0] =	vst.idx.add.f32.msk $0xffff, v6  }
0x318: {  	[tilespmem:v7+s7+$0x0] =	vst.idx.add.f32.msk $0xffff, v8  }
0x319: {  	v6 =	vld [tilespmem:s0+$0x10]  }
0x31a: {  	v8 =	vld [tilespmem:s18+$0x430]  }
0x31b: {  	[tilespmem:v5+s24+$0x0] =	vst.idx.add.f32.msk $0xffff, v10  }
0x31c: {  	[tilespmem:v3+s7+$0x0] =	vst.idx.add.f32.msk $0xffff, v9  }
0x31d: {  	v9 =	vld [tilespmem:s17+$0x10]  }
0x31e: {  	s28 =	simm.s32 $0x80B0;
	[tilespmem:v4+s11+$0x0] =	vst.idx.add.f32.msk $0xffff, v6  }
0x31f: {  	[tilespmem:v7+s28+$0x0] =	vst.idx.add.f32.msk $0xffff, v8  }
0x320: {  	v6 =	vld [tilespmem:s0+$0x20]  }
0x321: {  	v8 =	vld [tilespmem:s18+$0x440]  }
0x322: {  	[tilespmem:v5+s11+$0x0] =	vst.idx.add.f32.msk $0xffff, v9  }
0x323: {  	v9 =	vld [tilespmem:s17+$0x20];
	_ =	sdelay $0x1  }
0x324: {  	s20 =	simm.s32 $0x80C0;
	[tilespmem:v4+s5+$0x0] =	vst.idx.add.f32.msk $0xffff, v6  }
0x325: {  	[tilespmem:v7+s20+$0x0] =	vst.idx.add.f32.msk $0xffff, v8  }
0x326: {  	v8 =	vld [tilespmem:s18+$0x450]  }
0x327: {  	[tilespmem:v5+s5+$0x0] =	vst.idx.add.f32.msk $0xffff, v9  }
0x328: {  	v6 =	vld [tilespmem:s0+$0x30]  }
0x329: {  	v9 =	vld [tilespmem:s17+$0x30]  }
0x32a: {  	s21 =	simm.s32 $0x80D0  }
0x32b: {  	[tilespmem:v7+s21+$0x0] =	vst.idx.add.f32.msk $0xffff, v8  }
0x32c: {  	v8 =	vld [tilespmem:s18+$0x460]  }
0x32d: {  	[tilespmem:v4+s9+$0x0] =	vst.idx.add.f32.msk $0xffff, v6  }
0x32e: {  	[tilespmem:v5+s9+$0x0] =	vst.idx.add.f32.msk $0xffff, v9  }
0x32f: {  	v6 =	vld [tilespmem:s0+$0x40]  }
0x330: {  	s22 =	simm.s32 $0x80E0;
	v9 =	vld [tilespmem:s17+$0x40]  }
0x331: {  	[tilespmem:v7+s22+$0x0] =	vst.idx.add.f32.msk $0xffff, v8  }
0x332: {  	v8 =	vld [tilespmem:s18+$0x470]  }
0x333: {  	v10 =	vld [tilespmem:s30+$0x430]  }
0x334: {  	[tilespmem:v4+s10+$0x0] =	vst.idx.add.f32.msk $0xffff, v6  }
0x335: {  	[tilespmem:v5+s10+$0x0] =	vst.idx.add.f32.msk $0xffff, v9  }
0x336: {  	s29 =	simm.s32 $0x80F0;
	v6 =	vld [tilespmem:s0+$0x50]  }
0x337: {  	[tilespmem:v7+s29+$0x0] =	vst.idx.add.f32.msk $0xffff, v8  }
0x338: {  	v7 =	vld [tilespmem:s17+$0x50]  }
0x339: {  	[tilespmem:v3+s28+$0x0] =	vst.idx.add.f32.msk $0xffff, v10  }
0x33a: {  	v8 =	vld [tilespmem:s30+$0x440]  }
0x33b: {  	[tilespmem:v4+s12+$0x0] =	vst.idx.add.f32.msk $0xffff, v6  }
0x33c: {  	v6 =	vld [tilespmem:s0+$0x60]  }
0x33d: {  	[tilespmem:v5+s12+$0x0] =	vst.idx.add.f32.msk $0xffff, v7  }
0x33e: {  	v7 =	vld [tilespmem:s17+$0x60]  }
0x33f: {  	[tilespmem:v3+s20+$0x0] =	vst.idx.add.f32.msk $0xffff, v8  }
0x340: {  	v9 =	vld [tilespmem:s30+$0x450]  }
0x341: {  	[tilespmem:v4+s13+$0x0] =	vst.idx.add.f32.msk $0xffff, v6  }
0x342: {  	v6 =	vld [tilespmem:s0+$0x70]  }
0x343: {  	[tilespmem:v5+s13+$0x0] =	vst.idx.add.f32.msk $0xffff, v7  }
0x344: {  	v8 =	vld [tilespmem:s17+$0x70]  }
0x345: {  	s4 =	simm.s32 $0xA0;
	[tilespmem:v3+s21+$0x0] =	vst.idx.add.f32.msk $0xffff, v9  }
0x346: {  	s1 =	simm.s32 $0xE0;
	s3 =	simm.s32 $0x19080;
	s23 =	simm.s32 $0x2;
	v7 =	vld [tilespmem:s30+$0x460]  }
0x347: {  	s25 =	simm.s32 $0xC0;
	s26 =	simm.s32 $0xD0;
	s18 =	simm.s32 $0xB0;
	[tilespmem:v4+s14+$0x0] =	vst.idx.add.f32.msk $0xffff, v6;
	v6 =	vmov v5  }
.LBB2_11:
0x348: {  	s6 =	sadd.s32 s23, s19;
	v9 =	vld [tilespmem:s0+$0x400]  }
0x349: {  	s8 =	sadd.s32 $0x22, s6;
	s6 =	sadd.s32 $0x23, s6;
	[tilespmem:v5+s14+$0x0] =	vst.idx.add.f32.msk $0xffff, v8  }
0x34a: {  	s23 =	sadd.s32 $0x2, s23;
	v8 =	vmov s8;
	v10 =	vmov s6;
	v11 =	vld [tilespmem:s17+$0x400]  }
0x34b: {  	p0 =	slt.u32 s23, $0x1E;
	v8 =	vand.u32 $0xFFFFFFFE, v8;
	[tilespmem:v3+s22+$0x0] =	vst.idx.add.f32.msk $0xffff, v7  }
0x34c: {  	v7 =	vbroadcast v8, $0x0;
	v8 =	vld [tilespmem:s30+$0x470];
	s30 =	smov.u32 s17  }
0x34d: {  	[tilespmem:v4+s15+$0x0] =	vst.idx.add.f32.msk $0xffff, v9  }
0x34e: {  	v9 =	vld [tilespmem:s0+$0x410]  }
0x34f: {  	v10 =	vld.idx.msk [tilespmem:v10+s3+$0x0], $0xffff  }
0x350: {  	[tilespmem:v5+s15+$0x0] =	vst.idx.add.f32.msk $0xffff, v11  }
0x351: {  	v11 =	vld [tilespmem:s30+$0x410]  }
0x352: {  	v7 =	vld.idx.msk [tilespmem:v7+s3+$0x0], $0xffff  }
0x353: {  	[tilespmem:v4+s31+$0x0] =	vst.idx.add.f32.msk $0xffff, v9  }
0x354: {  	s16 =	sadd.s32 $0x100, s16;
	s2 =	sadd.s32 $0x200, s2;
	v9 =	vld [tilespmem:s0+$0x420]  }
0x355: {  	s6 =	sand.u32 $0x1800, s2;
	s8 =	sadd.s32 $0xFFFFFF80, s16;
	s17 =	sand.u32 $0x380, s16;
	[tilespmem:v3+s29+$0x0] =	vst.idx.add.f32.msk $0xffff, v8;
	v3 =	vmov v5;
	v5 =	vadd.s32 v2, v10  }
0x356: {  	s8 =	sand.u32 $0x300, s8;
	s6 =	sor.u32 $0x16080, s6;
	[tilespmem:v6+s31+$0x0] =	vst.idx.add.f32.msk $0xffff, v11;
	v6 =	vmov v5  }
0x357: {  	s8 =	sor.u32 s8, s6;
	s17 =	sadd.s32 s17, s6;
	v8 =	vld [tilespmem:s30+$0x420]  }
0x358: {  	v7 =	vadd.s32 v2, v7;
	v10 =	vld [tilespmem:s8+$0x0]  }
0x359: {  	[tilespmem:v4+s7+$0x0] =	vst.idx.add.f32.msk $0xffff, v9  }
0x35a: {  	v9 =	vld [tilespmem:s0+$0x430]  }
0x35b: {  	v11 =	vld [tilespmem:s17+$0x0]  }
0x35c: {  	[tilespmem:v3+s7+$0x0] =	vst.idx.add.f32.msk $0xffff, v8  }
0x35d: {  	[tilespmem:v7+s24+$0x0] =	vst.idx.add.f32.msk $0xffff, v10  }
0x35e: {  	v8 =	vld [tilespmem:s8+$0x10]  }
0x35f: {  	[tilespmem:v4+s28+$0x0] =	vst.idx.add.f32.msk $0xffff, v9  }
0x360: {  	v9 =	vld [tilespmem:s0+$0x440]  }
0x361: {  	[tilespmem:v5+s24+$0x0] =	vst.idx.add.f32.msk $0xffff, v11  }
0x362: {  	v10 =	vld [tilespmem:s17+$0x10]  }
0x363: {  	[tilespmem:v7+s11+$0x0] =	vst.idx.add.f32.msk $0xffff, v8  }
0x364: {  	v8 =	vld [tilespmem:s8+$0x20]  }
0x365: {  	[tilespmem:v4+s20+$0x0] =	vst.idx.add.f32.msk $0xffff, v9  }
0x366: {  	v9 =	vld [tilespmem:s0+$0x450]  }
0x367: {  	[tilespmem:v5+s11+$0x0] =	vst.idx.add.f32.msk $0xffff, v10  }
0x368: {  	v10 =	vld [tilespmem:s17+$0x20]  }
0x369: {  	[tilespmem:v7+s5+$0x0] =	vst.idx.add.f32.msk $0xffff, v8  }
0x36a: {  	v8 =	vld [tilespmem:s8+$0x30]  }
0x36b: {  	[tilespmem:v4+s21+$0x0] =	vst.idx.add.f32.msk $0xffff, v9  }
0x36c: {  	v9 =	vld [tilespmem:s0+$0x460]  }
0x36d: {  	[tilespmem:v5+s5+$0x0] =	vst.idx.add.f32.msk $0xffff, v10  }
0x36e: {  	v10 =	vld [tilespmem:s17+$0x30]  }
0x36f: {  	[tilespmem:v7+s9+$0x0] =	vst.idx.add.f32.msk $0xffff, v8  }
0x370: {  	v8 =	vld [tilespmem:s8+$0x40]  }
0x371: {  	[tilespmem:v4+s22+$0x0] =	vst.idx.add.f32.msk $0xffff, v9  }
0x372: {  	v9 =	vld [tilespmem:s0+$0x470];
	s0 =	smov.u32 s8  }
0x373: {  	[tilespmem:v5+s9+$0x0] =	vst.idx.add.f32.msk $0xffff, v10  }
0x374: {  	v10 =	vld [tilespmem:s17+$0x40]  }
0x375: {  	v11 =	vld [tilespmem:s30+$0x430]  }
0x376: {  	[tilespmem:v7+s10+$0x0] =	vst.idx.add.f32.msk $0xffff, v8  }
0x377: {  	[tilespmem:v4+s29+$0x0] =	vst.idx.add.f32.msk $0xffff, v9;
	v4 =	vmov v7  }
0x378: {  	v7 =	vld [tilespmem:s0+$0x50]  }
0x379: {  	[tilespmem:v5+s10+$0x0] =	vst.idx.add.f32.msk $0xffff, v10  }
0x37a: {  	v8 =	vld [tilespmem:s17+$0x50]  }
0x37b: {  	[tilespmem:v3+s28+$0x0] =	vst.idx.add.f32.msk $0xffff, v11  }
0x37c: {  	v9 =	vld [tilespmem:s30+$0x440]  }
0x37d: {  	[tilespmem:v4+s12+$0x0] =	vst.idx.add.f32.msk $0xffff, v7  }
0x37e: {  	v7 =	vld [tilespmem:s0+$0x60]  }
0x37f: {  	[tilespmem:v5+s12+$0x0] =	vst.idx.add.f32.msk $0xffff, v8  }
0x380: {  	v8 =	vld [tilespmem:s17+$0x60]  }
0x381: {  	[tilespmem:v3+s20+$0x0] =	vst.idx.add.f32.msk $0xffff, v9  }
0x382: {  	v9 =	vld [tilespmem:s30+$0x450]  }
0x383: {  	[tilespmem:v4+s13+$0x0] =	vst.idx.add.f32.msk $0xffff, v7  }
0x384: {  	v10 =	vld [tilespmem:s0+$0x70]  }
.Ltmp4:
0x385: {  	[tilespmem:v5+s13+$0x0] =	vst.idx.add.f32.msk $0xffff, v8;
	(pc) =	sbr.rel @p0 .LBB2_11-.Ltmp4, $4  }
0x386: {  	v8 =	vld [tilespmem:s17+$0x70]  }
0x387: {  	[tilespmem:v3+s21+$0x0] =	vst.idx.add.f32.msk $0xffff, v9  }
0x388: {  	v7 =	vld [tilespmem:s30+$0x460]  }
0x389: {  	[tilespmem:v4+s14+$0x0] =	vst.idx.add.f32.msk $0xffff, v10  }
0x38a: {  	_ =	sdelay $0x2  }
0x38b: {  	v9 =	vld [tilespmem:s0+$0x400]  }
0x38c: {  	[tilespmem:v5+s14+$0x0] =	vst.idx.add.f32.msk $0xffff, v8  }
0x38d: {  	v8 =	vld [tilespmem:s17+$0x400];
	_ =	sdelay $0x2  }
0x38e: {  	[tilespmem:v4+s15+$0x0] =	vst.idx.add.f32.msk $0xffff, v9  }
0x38f: {  	v9 =	vld [tilespmem:s0+$0x410]  }
0x390: {  	[tilespmem:v5+s15+$0x0] =	vst.idx.add.f32.msk $0xffff, v8  }
0x391: {  	v8 =	vld [tilespmem:s17+$0x410];
	_ =	sdelay $0x2  }
0x392: {  	[tilespmem:v4+s31+$0x0] =	vst.idx.add.f32.msk $0xffff, v9  }
0x393: {  	v9 =	vld [tilespmem:s0+$0x420]  }
0x394: {  	[tilespmem:v6+s31+$0x0] =	vst.idx.add.f32.msk $0xffff, v8  }
0x395: {  	v6 =	vld [tilespmem:s17+$0x420];
	_ =	sdelay $0x2  }
0x396: {  	[tilespmem:v4+s7+$0x0] =	vst.idx.add.f32.msk $0xffff, v9  }
0x397: {  	v63 =	vld [tilespmem:s0+$0x430]  }
0x398: {  	[tilespmem:v5+s7+$0x0] =	vst.idx.add.f32.msk $0xffff, v6  }
0x399: {  	v6 =	vld [tilespmem:s17+$0x430];
	_ =	sdelay $0x2  }
0x39a: {  	[tilespmem:v4+s28+$0x0] =	vst.idx.add.f32.msk $0xffff, v63  }
0x39b: {  	v8 =	vld [tilespmem:s0+$0x440]  }
0x39c: {  	[tilespmem:v5+s28+$0x0] =	vst.idx.add.f32.msk $0xffff, v6  }
0x39d: {  	v6 =	vld [tilespmem:s17+$0x440];
	_ =	sdelay $0x2  }
0x39e: {  	[tilespmem:v4+s20+$0x0] =	vst.idx.add.f32.msk $0xffff, v8  }
0x39f: {  	v8 =	vld [tilespmem:s0+$0x450]  }
0x3a0: {  	[tilespmem:v5+s20+$0x0] =	vst.idx.add.f32.msk $0xffff, v6  }
0x3a1: {  	v6 =	vld [tilespmem:s17+$0x450]  }
0x3a2: {  	[tilespmem:v3+s22+$0x0] =	vst.idx.add.f32.msk $0xffff, v7  }
0x3a3: {  	v7 =	vld [tilespmem:s30+$0x470]  }
0x3a4: {  	[tilespmem:v4+s21+$0x0] =	vst.idx.add.f32.msk $0xffff, v8  }
0x3a5: {  	v8 =	vld [tilespmem:s0+$0x460]  }
0x3a6: {  	[tilespmem:v5+s21+$0x0] =	vst.idx.add.f32.msk $0xffff, v6  }
0x3a7: {  	v6 =	vld [tilespmem:s17+$0x460];
	_ =	sdelay $0x2  }
0x3a8: {  	[tilespmem:v3+s29+$0x0] =	vst.idx.add.f32.msk $0xffff, v7  }
0x3a9: {  	[tilespmem:v4+s22+$0x0] =	vst.idx.add.f32.msk $0xffff, v8  }
0x3aa: {  	[tilespmem:v5+s22+$0x0] =	vst.idx.add.f32.msk $0xffff, v6  }
0x3ab: {  	s31 =	rddreg [dreg:$0x10]  }
0x3ac: {  	v8 =	vld [tilespmem:s0+$0x470];
	s0 =	sadd.s32 $0x1, s31  }
0x3ad: {  	s19 =	sadd.s32 $0x40, s19;
	v6 =	vld [tilespmem:s17+$0x470];
	p0 =	sne.s32 s0, $0x20  }
.Ltmp5:
0x3ae: {  	s9 =	simm.s32 $0x10;
	s10 =	simm.s32 $0x20;
	(pc) =	sbr.rel @p0 .LBB2_4-.Ltmp5, $4  }
0x3af: {  	s12 =	simm.s32 $0x30;
	s13 =	simm.s32 $0x40;
	s5 =	simm.s32 $0x70  }
0x3b0: {  	s8 =	simm.s32 $0x90;
	s14 =	simm.s32 $0x50;
	s15 =	simm.s32 $0x60  }
0x3b1: {  	s7 =	simm.s32 $0x80B0;
	s28 =	simm.s32 $0x80C0;
	s20 =	simm.s32 $0x80D0;
	[tilespmem:v4+s29+$0x0] =	vst.idx.add.f32.msk $0xffff, v8  }
0x3b2: {  	s21 =	simm.s32 $0x80E0;
	s22 =	simm.s32 $0x80F0;
	[tilespmem:v5+s29+$0x0] =	vst.idx.add.f32.msk $0xffff, v6;
	s29 =	simm.s32 $0x19080  }
0x3b3: {  	s16 =	simm.s32 $0x0;
	s0 =	rddreg [dreg:$0xb]  }
0x3b4: {  	s2 =	simm.s32 $0x80;
	s3 =	simm.s32 $0x400;
	s6 =	simm.s32 $0x5  }
0x3b5: {  	[hbm4b:s0+s2] =	stream.strided.scatter [tilespmem:s16], [sflag:$0x5], $0x8000, s3, s2, $0x38;
	[tilespmem:$0x19880] =	vst v63  }
0x3b6: {  	_ =	swait.ge [sflag:s6], $0x8000  }
0x3b7: {  	[sflag:s6] =	ssyncset.done $0x0  }
0x3b8: {  	s19 =	rddreg [dreg:$0xc];
	[sflag:s6] =	ssyncadd.s32 $0xFFFF8000  }
0x3b9: {  	[hbm4b:s19+s2] =	stream.strided.scatter [tilespmem:s24], [sflag:$0x5], $0x8000, s3, s2, $0x38;
	[tilespmem:$0x19880] =	vst v63  }
0x3ba: {  	_ =	swait.ge [sflag:s6], $0x8000  }
0x3bb: {  	[sflag:s6] =	ssyncset.done $0x0  }
0x3bc: {  	s8 =	simm.s32 $0x10000;
	s23 =	rddreg [dreg:$0xd];
	[sflag:s6] =	ssyncadd.s32 $0xFFFF8000  }
0x3bd: {  	[hbm4b:s23+s16] =	stream.linear.scatter [tilespmem:s8], [sflag:$0x5], $0x80, $0x38;
	[tilespmem:$0x19880] =	vst v63  }
0x3be: {  	_ =	swait.ge [sflag:s6], $0x80  }
0x3bf: {  	s30 =	rddreg [dreg:$0xf]  }
0x3c0: {  	s31 =	rddreg [dreg:$0xe];
	s2 =	sadd.s32 $0x1, s30  }
0x3c1: {  	p0 =	sne.s32 s2, s31  }
.Ltmp6:
0x3c2: {  	_ = 	snop;
	(pc) =	sbr.rel @p0 .LBB2_1-.Ltmp6, $3  }
0x3c3: {  	_ =	sdelay $0x1  }
0x3c4: {  	[sflag:s6] =	ssyncset.done $0x0  }
0x3c5: {  	[sflag:s6] =	ssyncadd.s32 $0xFFFFFF80  }
0x3c6: {  	_ =	sfence.sel $0x180000  }
0x3c7: {  	[bflag:$0x0] =	sbarrier.arrive $0xFFFF  }
0x3c8: {  	_ =	strace $0x90000047  }
0x3c9: {  	s0 =	stileid.u32;
	[bflag:$0x2] =	sbarrier.arrive $0xFFFF  }
0x3ca: {  	p0 =	sne.s32 s0, $0x0;
	s0 =	rddreg [dreg:$0x3]  }
0x3cb: {  	s0 =	sadd.s32 @!p0 $0x100000, s0  }
0x3cc: {  	[sflag:s0] =	ssyncadd.tile.s32 @!p0 $0x1;
	_ =	shalt  }
.Lfunc_end2:
_tile_overlayer_lowered:
.L_overlay_start_2:
0x3cd: {  	(tag) =	ssettag $0x2  }
0x3ce: {  	s0 =	rddreg [dreg:$0x0];
	s2 =	stileid.u32  }
0x3cf: {  	s1 =	rddreg [dreg:$0x1];
	p0 =	sne.s32 s2, $0x0  }
0x3d0: {  	s3 =	rddreg [dreg:$0x2];
	[bflag:$0x3] =	sbarrier.arrive $0xFFFF;
	s2 =	simm.s32 @!p0 $0x1C05  }
0x3d1: {  	[timem:s3], [sflag:s2] =	dma.local @!p0 [hbm:s0], s1  }
0x3d2: {  	s0 =	simm.s32 @!p0 $0x5  }
0x3d3: {  	_ =	swait.ge @!p0 [sflag:s0], s1  }
0x3d4: {  	s1 =	ssub.s32 @!p0 $0x0, s1;
	[sflag:s0] =	ssyncset.done @!p0 $0x0  }
0x3d5: {  	[sflag:s0] =	ssyncadd.s32 @!p0 s1  }
0x3d6: {  	[bflag:$0x3] =	sbarrier.arrive $0xFFFF  }
0x3d7: {  	_ =	shalt  }

</sc_bundles>
